<compile_context>
chip_gen: v7x
topology: tpu7x:2x2x1
jax: 0.10.2.dev20260603
libtpu: 0.0.44.dev20260713+nightly
codegen_flags: <defaults>
</compile_context>

<pallas_src>
import functools

import jax
import jax.numpy as jnp
from jax import lax
from jax.experimental import pallas as pl
from jax.experimental.pallas import tpu as pltpu
from jax.experimental.pallas import tpu_sc as plsc

N = 10000
F = 128
C = 4
CP = 5
K = 32
CC = C * C

NUM_WORKERS = 32
CHUNK = 336
STRIDE = 312
LANES = 16

BN = 1024


def _sc_cov_kernel(coords_hbm, nbr_hbm, out_hbm, coords_sh, coords_v, nbr_v,
                   out_v, dsem):
    cid = lax.axis_index("c")
    sid = lax.axis_index("s")
    wid = sid * 2 + cid
    base = jnp.minimum(wid * STRIDE, N - CHUNK)

    copies = []
    for kk in range(K):
        copies.append(pltpu.async_copy(
            nbr_hbm.at[pl.ds(kk * N + base, CHUNK)],
            nbr_v.at[pl.ds(kk * CHUNK, CHUNK)], dsem))
    @pl.when(sid == 0)
    def _():
        pltpu.sync_copy(coords_hbm, coords_sh)
    plsc.subcore_barrier()
    copies.append(pltpu.async_copy(coords_sh, coords_v, dsem))
    for cp in copies:
        cp.wait()

    lane = lax.iota(jnp.int32, LANES)
    inv = jnp.float32(1.0 / (K - 1))

    def group_body(g, _):
        own5 = (base + g * LANES + lane) * CP
        m = [plsc.load_gather(coords_v, [own5 + c]) for c in range(C)]

        @plsc.parallel_loop(
            0, K, carry=tuple([jnp.zeros((LANES,), jnp.float32)] * 10), unroll=4
        )
        def acc(kk, acc_in):
            idx5 = nbr_v[pl.ds(kk * CHUNK + g * LANES, LANES)] * CP
            d = [plsc.load_gather(coords_v, [idx5 + c]) - m[c] for c in range(C)]
            new = []
            t = 0
            for a in range(C):
                for b in range(a, C):
                    new.append(acc_in[t] + d[a] * d[b])
                    t += 1
            return tuple(new)

        t = 0
        for a in range(C):
            for b in range(a, C):
                v = acc[t] * inv
                t += 1
                out_v[pl.ds((a * C + b) * CHUNK + g * LANES, LANES)] = v
                if a != b:
                    out_v[pl.ds((b * C + a) * CHUNK + g * LANES, LANES)] = v
        return 0

    lax.fori_loop(0, CHUNK // LANES, group_body, 0)
    stores = [pltpu.async_copy(
        out_v.at[pl.ds(j * CHUNK, CHUNK)],
        out_hbm.at[pl.ds(j * N + base, CHUNK)], dsem) for j in range(CC)]
    for st in stores:
        st.wait()


_sc_cov = functools.partial(
    pl.kernel,
    out_type=jax.ShapeDtypeStruct((CC * N,), jnp.float32),
    mesh=plsc.VectorSubcoreMesh(
        core_axis_name="c", subcore_axis_name="s", num_cores=2, num_subcores=16
    ),
    compiler_params=pltpu.CompilerParams(needs_layout_passes=False),
    scratch_types=[
        pltpu.VMEM_SHARED((N * CP,), jnp.float32),
        pltpu.VMEM((N * CP,), jnp.float32),
        pltpu.VMEM((K * CHUNK,), jnp.int32),
        pltpu.VMEM((CC * CHUNK,), jnp.float32),
        pltpu.SemaphoreType.DMA,
    ],
)(_sc_cov_kernel)


def _tc_weight_kernel(x_ref, cov_ref, rep_ref, sel_ref, out_ref):
    x = x_ref[...]
    covt = cov_ref[...]
    xr = jax.lax.dot(x, rep_ref[...], precision=jax.lax.Precision.DEFAULT)
    covq = jax.lax.dot_general(
        covt, sel_ref[...],
        dimension_numbers=(((0,), (0,)), ((), ())),
        precision=jax.lax.Precision.DEFAULT,
    )
    out_ref[...] = xr * covq


def kernel(x, coords, neighbor_indices):
    coords5 = jnp.concatenate(
        [coords, jnp.zeros((N, 1), jnp.float32)], axis=1
    ).reshape(-1)
    nbr_t = neighbor_indices.T.reshape(-1)
    cov_t = _sc_cov(coords5, nbr_t).reshape(CC, N)

    rep = jnp.reshape(
        jnp.eye(F, dtype=jnp.float32)[:, :, None] * jnp.ones((1, 1, CC), jnp.float32),
        (F, F * CC),
    )
    sel = jnp.tile(jnp.eye(CC, dtype=jnp.float32), (1, F))
    BC = 1024
    return pl.pallas_call(
        _tc_weight_kernel,
        grid=(pl.cdiv(N, BN), (F * CC) // BC),
        in_specs=[
            pl.BlockSpec((BN, F), lambda i, j: (i, 0)),
            pl.BlockSpec((CC, BN), lambda i, j: (0, i)),
            pl.BlockSpec((F, BC), lambda i, j: (0, j)),
            pl.BlockSpec((CC, BC), lambda i, j: (0, j)),
        ],
        out_specs=pl.BlockSpec((BN, BC), lambda i, j: (i, j)),
        out_shape=jax.ShapeDtypeStruct((N, F * CC), jnp.float32),
    )(x, cov_t, rep, sel)

# --- scband reference (transcript-rebuilt; emitter-appended) ---
"""Pipeline reference for scband-weighted-covariances-38285338476790 (READ-ONLY COPY).

The authoritative reference and input builder live on the scoring server;
editing this copy changes nothing except your own understanding.
"""

import jax, jax.numpy as jnp
import numpy as np

N = 10000
F = 128
C = 4
K = 32

def setup_inputs(seed: int = 0) -> dict:
    key = jax.random.key(seed)
    k1, k2, k3 = jax.random.split(key, 3)
    x = jax.random.normal(k1, (N, F), dtype=jnp.float32)
    coords = jax.random.normal(k2, (N, C), dtype=jnp.float32)
    neighbor_indices = jax.random.randint(k3, (N, K), 0, N, dtype=jnp.int32)
    return {"x": x, "coords": coords, "neighbor_indices": neighbor_indices}

def reference(x, coords, neighbor_indices):
    # collect_neighbours: gather coords of neighbors -> [N, K, C]
    coords_collected = jnp.take(coords, neighbor_indices, axis=0)
    # center by each node's own coords (mean estimate)
    mean_est = coords[:, None, :]
    centered = coords_collected - mean_est  # [N, K, C]
    centered_transposed = jnp.transpose(centered, (0, 2, 1))  # [N, C, K]
    k_count = coords_collected.shape[1]
    cov_est = jnp.matmul(centered_transposed, centered) / (jnp.float32(k_count) - 1.0)  # [N, C, C]
    # weight per-node covariance by each feature channel
    weighted = cov_est[:, None, :, :] * x[:, :, None, None]  # [N, F, C, C]
    weighted_flattened = jnp.reshape(weighted, (coords_collected.shape[0], coords.shape[1] * coords.shape[1] * x.shape[1]))
    return weighted_flattened

if __name__ == "__main__":
    import jax
    _d = setup_inputs()
    print(jax.jit(kernel)(*tuple(_d.values())))

</pallas_src>

<mosaic_0001>
#map = affine_map<(d0, d1) -> (0)>
module attributes {stable_mosaic.version = 14 : i64} {
  func.func @_sc_cov_kernel(%arg0: i32, %arg1: i32, %arg2: memref<50000xf32, #tpu.memory_space<hbm>>, %arg3: memref<320000xi32, #tpu.memory_space<hbm>>, %arg4: memref<160000xf32, #tpu.memory_space<hbm>>, %arg5: memref<50000xf32, #tpu.memory_space<vmem_shared>>, %arg6: memref<50000xf32, #tpu.memory_space<vmem>>, %arg7: memref<10752xi32, #tpu.memory_space<vmem>>, %arg8: memref<5376xf32, #tpu.memory_space<vmem>>, %arg9: memref<!tpu.dma_semaphore, #tpu.memory_space<semaphore_mem>>) attributes {dimension_semantics = [#tpu.dimension_semantics<core_parallel>, #tpu.dimension_semantics<subcore_parallel>], iteration_bounds = array<i64: 2, 16>, scalar_prefetch = 0 : i64, scratch_operands = 5 : i64, tpu.core_type = #tpu.core_type<sc_vector_subcore>, window_params = [{transform_indices = #map}, {transform_indices = #map}, {transform_indices = #map}]} {
    %mul3A = arith.constant 2 : i32
    %mul3A_0 = arith.muli %arg1, %mul3A : i32
    %add3A = arith.addi %mul3A_0, %arg0 : i32
    %mul3A_1 = arith.constant 312 : i32
    %mul3A_2 = arith.muli %add3A, %mul3A_1 : i32
    %min3A = arith.constant 9664 : i32
    %min3A_3 = arith.minsi %mul3A_2, %min3A : i32
    %add3A_4 = arith.constant 0 : i32
    %add3A_5 = arith.addi %add3A_4, %min3A_3 : i32
    %dma_start3A = arith.constant 0 : i32
    %dma_start3A_6 = tpu.memref_slice %arg7[%dma_start3A] : memref<10752xi32, #tpu.memory_space<vmem>> -> memref<336xi32, #tpu.memory_space<vmem>>
    %dma_start3A_7 = tpu.memref_slice %arg3[%add3A_5] : memref<320000xi32, #tpu.memory_space<hbm>> -> memref<336xi32, #tpu.memory_space<hbm>>
    %dma_start3A_8 = arith.constant 0 : i32
    %dma_start3A_9 = tpu.memref_slice %arg7[%dma_start3A_8] : memref<10752xi32, #tpu.memory_space<vmem>> -> memref<336xi32, #tpu.memory_space<vmem>>
    %dma_start3A_10 = tpu.memref_slice %arg3[%add3A_5] : memref<320000xi32, #tpu.memory_space<hbm>> -> memref<336xi32, #tpu.memory_space<hbm>>
    tpu.enqueue_dma source(%dma_start3A_10 : memref<336xi32, #tpu.memory_space<hbm>>) target(%dma_start3A_9 : memref<336xi32, #tpu.memory_space<vmem>>) target_semaphore(%arg9 : memref<!tpu.dma_semaphore, #tpu.memory_space<semaphore_mem>>)
    %add3A_11 = arith.constant 10000 : i32
    %add3A_12 = arith.addi %add3A_11, %min3A_3 : i32
    %dma_start3A_13 = arith.constant 336 : i32
    %dma_start3A_14 = tpu.memref_slice %arg7[%dma_start3A_13] : memref<10752xi32, #tpu.memory_space<vmem>> -> memref<336xi32, #tpu.memory_space<vmem>>
    %dma_start3A_15 = tpu.memref_slice %arg3[%add3A_12] : memref<320000xi32, #tpu.memory_space<hbm>> -> memref<336xi32, #tpu.memory_space<hbm>>
    %dma_start3A_16 = arith.constant 336 : i32
    %dma_start3A_17 = tpu.memref_slice %arg7[%dma_start3A_16] : memref<10752xi32, #tpu.memory_space<vmem>> -> memref<336xi32, #tpu.memory_space<vmem>>
    %dma_start3A_18 = tpu.memref_slice %arg3[%add3A_12] : memref<320000xi32, #tpu.memory_space<hbm>> -> memref<336xi32, #tpu.memory_space<hbm>>
    tpu.enqueue_dma source(%dma_start3A_18 : memref<336xi32, #tpu.memory_space<hbm>>) target(%dma_start3A_17 : memref<336xi32, #tpu.memory_space<vmem>>) target_semaphore(%arg9 : memref<!tpu.dma_semaphore, #tpu.memory_space<semaphore_mem>>)
    %add3A_19 = arith.constant 20000 : i32
    %add3A_20 = arith.addi %add3A_19, %min3A_3 : i32
    %dma_start3A_21 = arith.constant 672 : i32
    %dma_start3A_22 = tpu.memref_slice %arg7[%dma_start3A_21] : memref<10752xi32, #tpu.memory_space<vmem>> -> memref<336xi32, #tpu.memory_space<vmem>>
    %dma_start3A_23 = tpu.memref_slice %arg3[%add3A_20] : memref<320000xi32, #tpu.memory_space<hbm>> -> memref<336xi32, #tpu.memory_space<hbm>>
    %dma_start3A_24 = arith.constant 672 : i32
    %dma_start3A_25 = tpu.memref_slice %arg7[%dma_start3A_24] : memref<10752xi32, #tpu.memory_space<vmem>> -> memref<336xi32, #tpu.memory_space<vmem>>
    %dma_start3A_26 = tpu.memref_slice %arg3[%add3A_20] : memref<320000xi32, #tpu.memory_space<hbm>> -> memref<336xi32, #tpu.memory_space<hbm>>
    tpu.enqueue_dma source(%dma_start3A_26 : memref<336xi32, #tpu.memory_space<hbm>>) target(%dma_start3A_25 : memref<336xi32, #tpu.memory_space<vmem>>) target_semaphore(%arg9 : memref<!tpu.dma_semaphore, #tpu.memory_space<semaphore_mem>>)
    %add3A_27 = arith.constant 30000 : i32
    %add3A_28 = arith.addi %add3A_27, %min3A_3 : i32
    %dma_start3A_29 = arith.constant 1008 : i32
    %dma_start3A_30 = tpu.memref_slice %arg7[%dma_start3A_29] : memref<10752xi32, #tpu.memory_space<vmem>> -> memref<336xi32, #tpu.memory_space<vmem>>
    %dma_start3A_31 = tpu.memref_slice %arg3[%add3A_28] : memref<320000xi32, #tpu.memory_space<hbm>> -> memref<336xi32, #tpu.memory_space<hbm>>
    %dma_start3A_32 = arith.constant 1008 : i32
    %dma_start3A_33 = tpu.memref_slice %arg7[%dma_start3A_32] : memref<10752xi32, #tpu.memory_space<vmem>> -> memref<336xi32, #tpu.memory_space<vmem>>
    %dma_start3A_34 = tpu.memref_slice %arg3[%add3A_28] : memref<320000xi32, #tpu.memory_space<hbm>> -> memref<336xi32, #tpu.memory_space<hbm>>
    tpu.enqueue_dma source(%dma_start3A_34 : memref<336xi32, #tpu.memory_space<hbm>>) target(%dma_start3A_33 : memref<336xi32, #tpu.memory_space<vmem>>) target_semaphore(%arg9 : memref<!tpu.dma_semaphore, #tpu.memory_space<semaphore_mem>>)
    %add3A_35 = arith.constant 40000 : i32
    %add3A_36 = arith.addi %add3A_35, %min3A_3 : i32
    %dma_start3A_37 = arith.constant 1344 : i32
    %dma_start3A_38 = tpu.memref_slice %arg7[%dma_start3A_37] : memref<10752xi32, #tpu.memory_space<vmem>> -> memref<336xi32, #tpu.memory_space<vmem>>
    %dma_start3A_39 = tpu.memref_slice %arg3[%add3A_36] : memref<320000xi32, #tpu.memory_space<hbm>> -> memref<336xi32, #tpu.memory_space<hbm>>
    %dma_start3A_40 = arith.constant 1344 : i32
    %dma_start3A_41 = tpu.memref_slice %arg7[%dma_start3A_40] : memref<10752xi32, #tpu.memory_space<vmem>> -> memref<336xi32, #tpu.memory_space<vmem>>
    %dma_start3A_42 = tpu.memref_slice %arg3[%add3A_36] : memref<320000xi32, #tpu.memory_space<hbm>> -> memref<336xi32, #tpu.memory_space<hbm>>
    tpu.enqueue_dma source(%dma_start3A_42 : memref<336xi32, #tpu.memory_space<hbm>>) target(%dma_start3A_41 : memref<336xi32, #tpu.memory_space<vmem>>) target_semaphore(%arg9 : memref<!tpu.dma_semaphore, #tpu.memory_space<semaphore_mem>>)
    %add3A_43 = arith.constant 50000 : i32
    %add3A_44 = arith.addi %add3A_43, %min3A_3 : i32
    %dma_start3A_45 = arith.constant 1680 : i32
    %dma_start3A_46 = tpu.memref_slice %arg7[%dma_start3A_45] : memref<10752xi32, #tpu.memory_space<vmem>> -> memref<336xi32, #tpu.memory_space<vmem>>
    %dma_start3A_47 = tpu.memref_slice %arg3[%add3A_44] : memref<320000xi32, #tpu.memory_space<hbm>> -> memref<336xi32, #tpu.memory_space<hbm>>
    %dma_start3A_48 = arith.constant 1680 : i32
    %dma_start3A_49 = tpu.memref_slice %arg7[%dma_start3A_48] : memref<10752xi32, #tpu.memory_space<vmem>> -> memref<336xi32, #tpu.memory_space<vmem>>
    %dma_start3A_50 = tpu.memref_slice %arg3[%add3A_44] : memref<320000xi32, #tpu.memory_space<hbm>> -> memref<336xi32, #tpu.memory_space<hbm>>
    tpu.enqueue_dma source(%dma_start3A_50 : memref<336xi32, #tpu.memory_space<hbm>>) target(%dma_start3A_49 : memref<336xi32, #tpu.memory_space<vmem>>) target_semaphore(%arg9 : memref<!tpu.dma_semaphore, #tpu.memory_space<semaphore_mem>>)
    %add3A_51 = arith.constant 60000 : i32
    %add3A_52 = arith.addi %add3A_51, %min3A_3 : i32
    %dma_start3A_53 = arith.constant 2016 : i32
    %dma_start3A_54 = tpu.memref_slice %arg7[%dma_start3A_53] : memref<10752xi32, #tpu.memory_space<vmem>> -> memref<336xi32, #tpu.memory_space<vmem>>
    %dma_start3A_55 = tpu.memref_slice %arg3[%add3A_52] : memref<320000xi32, #tpu.memory_space<hbm>> -> memref<336xi32, #tpu.memory_space<hbm>>
    %dma_start3A_56 = arith.constant 2016 : i32
    %dma_start3A_57 = tpu.memref_slice %arg7[%dma_start3A_56] : memref<10752xi32, #tpu.memory_space<vmem>> -> memref<336xi32, #tpu.memory_space<vmem>>
    %dma_start3A_58 = tpu.memref_slice %arg3[%add3A_52] : memref<320000xi32, #tpu.memory_space<hbm>> -> memref<336xi32, #tpu.memory_space<hbm>>
    tpu.enqueue_dma source(%dma_start3A_58 : memref<336xi32, #tpu.memory_space<hbm>>) target(%dma_start3A_57 : memref<336xi32, #tpu.memory_space<vmem>>) target_semaphore(%arg9 : memref<!tpu.dma_semaphore, #tpu.memory_space<semaphore_mem>>)
    %add3A_59 = arith.constant 70000 : i32
    %add3A_60 = arith.addi %add3A_59, %min3A_3 : i32
    %dma_start3A_61 = arith.constant 2352 : i32
    %dma_start3A_62 = tpu.memref_slice %arg7[%dma_start3A_61] : memref<10752xi32, #tpu.memory_space<vmem>> -> memref<336xi32, #tpu.memory_space<vmem>>
    %dma_start3A_63 = tpu.memref_slice %arg3[%add3A_60] : memref<320000xi32, #tpu.memory_space<hbm>> -> memref<336xi32, #tpu.memory_space<hbm>>
    %dma_start3A_64 = arith.constant 2352 : i32
    %dma_start3A_65 = tpu.memref_slice %arg7[%dma_start3A_64] : memref<10752xi32, #tpu.memory_space<vmem>> -> memref<336xi32, #tpu.memory_space<vmem>>
    %dma_start3A_66 = tpu.memref_slice %arg3[%add3A_60] : memref<320000xi32, #tpu.memory_space<hbm>> -> memref<336xi32, #tpu.memory_space<hbm>>
    tpu.enqueue_dma source(%dma_start3A_66 : memref<336xi32, #tpu.memory_space<hbm>>) target(%dma_start3A_65 : memref<336xi32, #tpu.memory_space<vmem>>) target_semaphore(%arg9 : memref<!tpu.dma_semaphore, #tpu.memory_space<semaphore_mem>>)
    %add3A_67 = arith.constant 80000 : i32
    %add3A_68 = arith.addi %add3A_67, %min3A_3 : i32
    %dma_start3A_69 = arith.constant 2688 : i32
    %dma_start3A_70 = tpu.memref_slice %arg7[%dma_start3A_69] : memref<10752xi32, #tpu.memory_space<vmem>> -> memref<336xi32, #tpu.memory_space<vmem>>
    %dma_start3A_71 = tpu.memref_slice %arg3[%add3A_68] : memref<320000xi32, #tpu.memory_space<hbm>> -> memref<336xi32, #tpu.memory_space<hbm>>
    %dma_start3A_72 = arith.constant 2688 : i32
    %dma_start3A_73 = tpu.memref_slice %arg7[%dma_start3A_72] : memref<10752xi32, #tpu.memory_space<vmem>> -> memref<336xi32, #tpu.memory_space<vmem>>
    %dma_start3A_74 = tpu.memref_slice %arg3[%add3A_68] : memref<320000xi32, #tpu.memory_space<hbm>> -> memref<336xi32, #tpu.memory_space<hbm>>
    tpu.enqueue_dma source(%dma_start3A_74 : memref<336xi32, #tpu.memory_space<hbm>>) target(%dma_start3A_73 : memref<336xi32, #tpu.memory_space<vmem>>) target_semaphore(%arg9 : memref<!tpu.dma_semaphore, #tpu.memory_space<semaphore_mem>>)
    %add3A_75 = arith.constant 90000 : i32
    %add3A_76 = arith.addi %add3A_75, %min3A_3 : i32
    %dma_start3A_77 = arith.constant 3024 : i32
    %dma_start3A_78 = tpu.memref_slice %arg7[%dma_start3A_77] : memref<10752xi32, #tpu.memory_space<vmem>> -> memref<336xi32, #tpu.memory_space<vmem>>
    %dma_start3A_79 = tpu.memref_slice %arg3[%add3A_76] : memref<320000xi32, #tpu.memory_space<hbm>> -> memref<336xi32, #tpu.memory_space<hbm>>
    %dma_start3A_80 = arith.constant 3024 : i32
    %dma_start3A_81 = tpu.memref_slice %arg7[%dma_start3A_80] : memref<10752xi32, #tpu.memory_space<vmem>> -> memref<336xi32, #tpu.memory_space<vmem>>
    %dma_start3A_82 = tpu.memref_slice %arg3[%add3A_76] : memref<320000xi32, #tpu.memory_space<hbm>> -> memref<336xi32, #tpu.memory_space<hbm>>
    tpu.enqueue_dma source(%dma_start3A_82 : memref<336xi32, #tpu.memory_space<hbm>>) target(%dma_start3A_81 : memref<336xi32, #tpu.memory_space<vmem>>) target_semaphore(%arg9 : memref<!tpu.dma_semaphore, #tpu.memory_space<semaphore_mem>>)
    %add3A_83 = arith.constant 100000 : i32
    %add3A_84 = arith.addi %add3A_83, %min3A_3 : i32
    %dma_start3A_85 = arith.constant 3360 : i32
    %dma_start3A_86 = tpu.memref_slice %arg7[%dma_start3A_85] : memref<10752xi32, #tpu.memory_space<vmem>> -> memref<336xi32, #tpu.memory_space<vmem>>
    %dma_start3A_87 = tpu.memref_slice %arg3[%add3A_84] : memref<320000xi32, #tpu.memory_space<hbm>> -> memref<336xi32, #tpu.memory_space<hbm>>
    %dma_start3A_88 = arith.constant 3360 : i32
    %dma_start3A_89 = tpu.memref_slice %arg7[%dma_start3A_88] : memref<10752xi32, #tpu.memory_space<vmem>> -> memref<336xi32, #tpu.memory_space<vmem>>
    %dma_start3A_90 = tpu.memref_slice %arg3[%add3A_84] : memref<320000xi32, #tpu.memory_space<hbm>> -> memref<336xi32, #tpu.memory_space<hbm>>
    tpu.enqueue_dma source(%dma_start3A_90 : memref<336xi32, #tpu.memory_space<hbm>>) target(%dma_start3A_89 : memref<336xi32, #tpu.memory_space<vmem>>) target_semaphore(%arg9 : memref<!tpu.dma_semaphore, #tpu.memory_space<semaphore_mem>>)
    %add3A_91 = arith.constant 110000 : i32
    %add3A_92 = arith.addi %add3A_91, %min3A_3 : i32
    %dma_start3A_93 = arith.constant 3696 : i32
    %dma_start3A_94 = tpu.memref_slice %arg7[%dma_start3A_93] : memref<10752xi32, #tpu.memory_space<vmem>> -> memref<336xi32, #tpu.memory_space<vmem>>
    %dma_start3A_95 = tpu.memref_slice %arg3[%add3A_92] : memref<320000xi32, #tpu.memory_space<hbm>> -> memref<336xi32, #tpu.memory_space<hbm>>
    %dma_start3A_96 = arith.constant 3696 : i32
    %dma_start3A_97 = tpu.memref_slice %arg7[%dma_start3A_96] : memref<10752xi32, #tpu.memory_space<vmem>> -> memref<336xi32, #tpu.memory_space<vmem>>
    %dma_start3A_98 = tpu.memref_slice %arg3[%add3A_92] : memref<320000xi32, #tpu.memory_space<hbm>> -> memref<336xi32, #tpu.memory_space<hbm>>
    tpu.enqueue_dma source(%dma_start3A_98 : memref<336xi32, #tpu.memory_space<hbm>>) target(%dma_start3A_97 : memref<336xi32, #tpu.memory_space<vmem>>) target_semaphore(%arg9 : memref<!tpu.dma_semaphore, #tpu.memory_space<semaphore_mem>>)
    %add3A_99 = arith.constant 120000 : i32
    %add3A_100 = arith.addi %add3A_99, %min3A_3 : i32
    %dma_start3A_101 = arith.constant 4032 : i32
    %dma_start3A_102 = tpu.memref_slice %arg7[%dma_start3A_101] : memref<10752xi32, #tpu.memory_space<vmem>> -> memref<336xi32, #tpu.memory_space<vmem>>
    %dma_start3A_103 = tpu.memref_slice %arg3[%add3A_100] : memref<320000xi32, #tpu.memory_space<hbm>> -> memref<336xi32, #tpu.memory_space<hbm>>
    %dma_start3A_104 = arith.constant 4032 : i32
    %dma_start3A_105 = tpu.memref_slice %arg7[%dma_start3A_104] : memref<10752xi32, #tpu.memory_space<vmem>> -> memref<336xi32, #tpu.memory_space<vmem>>
    %dma_start3A_106 = tpu.memref_slice %arg3[%add3A_100] : memref<320000xi32, #tpu.memory_space<hbm>> -> memref<336xi32, #tpu.memory_space<hbm>>
    tpu.enqueue_dma source(%dma_start3A_106 : memref<336xi32, #tpu.memory_space<hbm>>) target(%dma_start3A_105 : memref<336xi32, #tpu.memory_space<vmem>>) target_semaphore(%arg9 : memref<!tpu.dma_semaphore, #tpu.memory_space<semaphore_mem>>)
    %add3A_107 = arith.constant 130000 : i32
    %add3A_108 = arith.addi %add3A_107, %min3A_3 : i32
    %dma_start3A_109 = arith.constant 4368 : i32
    %dma_start3A_110 = tpu.memref_slice %arg7[%dma_start3A_109] : memref<10752xi32, #tpu.memory_space<vmem>> -> memref<336xi32, #tpu.memory_space<vmem>>
    %dma_start3A_111 = tpu.memref_slice %arg3[%add3A_108] : memref<320000xi32, #tpu.memory_space<hbm>> -> memref<336xi32, #tpu.memory_space<hbm>>
    %dma_start3A_112 = arith.constant 4368 : i32
    %dma_start3A_113 = tpu.memref_slice %arg7[%dma_start3A_112] : memref<10752xi32, #tpu.memory_space<vmem>> -> memref<336xi32, #tpu.memory_space<vmem>>
    %dma_start3A_114 = tpu.memref_slice %arg3[%add3A_108] : memref<320000xi32, #tpu.memory_space<hbm>> -> memref<336xi32, #tpu.memory_space<hbm>>
    tpu.enqueue_dma source(%dma_start3A_114 : memref<336xi32, #tpu.memory_space<hbm>>) target(%dma_start3A_113 : memref<336xi32, #tpu.memory_space<vmem>>) target_semaphore(%arg9 : memref<!tpu.dma_semaphore, #tpu.memory_space<semaphore_mem>>)
    %add3A_115 = arith.constant 140000 : i32
    %add3A_116 = arith.addi %add3A_115, %min3A_3 : i32
    %dma_start3A_117 = arith.constant 4704 : i32
    %dma_start3A_118 = tpu.memref_slice %arg7[%dma_start3A_117] : memref<10752xi32, #tpu.memory_space<vmem>> -> memref<336xi32, #tpu.memory_space<vmem>>
    %dma_start3A_119 = tpu.memref_slice %arg3[%add3A_116] : memref<320000xi32, #tpu.memory_space<hbm>> -> memref<336xi32, #tpu.memory_space<hbm>>
    %dma_start3A_120 = arith.constant 4704 : i32
    %dma_start3A_121 = tpu.memref_slice %arg7[%dma_start3A_120] : memref<10752xi32, #tpu.memory_space<vmem>> -> memref<336xi32, #tpu.memory_space<vmem>>
    %dma_start3A_122 = tpu.memref_slice %arg3[%add3A_116] : memref<320000xi32, #tpu.memory_space<hbm>> -> memref<336xi32, #tpu.memory_space<hbm>>
    tpu.enqueue_dma source(%dma_start3A_122 : memref<336xi32, #tpu.memory_space<hbm>>) target(%dma_start3A_121 : memref<336xi32, #tpu.memory_space<vmem>>) target_semaphore(%arg9 : memref<!tpu.dma_semaphore, #tpu.memory_space<semaphore_mem>>)
    %add3A_123 = arith.constant 150000 : i32
    %add3A_124 = arith.addi %add3A_123, %min3A_3 : i32
    %dma_start3A_125 = arith.constant 5040 : i32
    %dma_start3A_126 = tpu.memref_slice %arg7[%dma_start3A_125] : memref<10752xi32, #tpu.memory_space<vmem>> -> memref<336xi32, #tpu.memory_space<vmem>>
    %dma_start3A_127 = tpu.memref_slice %arg3[%add3A_124] : memref<320000xi32, #tpu.memory_space<hbm>> -> memref<336xi32, #tpu.memory_space<hbm>>
    %dma_start3A_128 = arith.constant 5040 : i32
    %dma_start3A_129 = tpu.memref_slice %arg7[%dma_start3A_128] : memref<10752xi32, #tpu.memory_space<vmem>> -> memref<336xi32, #tpu.memory_space<vmem>>
    %dma_start3A_130 = tpu.memref_slice %arg3[%add3A_124] : memref<320000xi32, #tpu.memory_space<hbm>> -> memref<336xi32, #tpu.memory_space<hbm>>
    tpu.enqueue_dma source(%dma_start3A_130 : memref<336xi32, #tpu.memory_space<hbm>>) target(%dma_start3A_129 : memref<336xi32, #tpu.memory_space<vmem>>) target_semaphore(%arg9 : memref<!tpu.dma_semaphore, #tpu.memory_space<semaphore_mem>>)
    %add3A_131 = arith.constant 160000 : i32
    %add3A_132 = arith.addi %add3A_131, %min3A_3 : i32
    %dma_start3A_133 = arith.constant 5376 : i32
    %dma_start3A_134 = tpu.memref_slice %arg7[%dma_start3A_133] : memref<10752xi32, #tpu.memory_space<vmem>> -> memref<336xi32, #tpu.memory_space<vmem>>
    %dma_start3A_135 = tpu.memref_slice %arg3[%add3A_132] : memref<320000xi32, #tpu.memory_space<hbm>> -> memref<336xi32, #tpu.memory_space<hbm>>
    %dma_start3A_136 = arith.constant 5376 : i32
    %dma_start3A_137 = tpu.memref_slice %arg7[%dma_start3A_136] : memref<10752xi32, #tpu.memory_space<vmem>> -> memref<336xi32, #tpu.memory_space<vmem>>
    %dma_start3A_138 = tpu.memref_slice %arg3[%add3A_132] : memref<320000xi32, #tpu.memory_space<hbm>> -> memref<336xi32, #tpu.memory_space<hbm>>
    tpu.enqueue_dma source(%dma_start3A_138 : memref<336xi32, #tpu.memory_space<hbm>>) target(%dma_start3A_137 : memref<336xi32, #tpu.memory_space<vmem>>) target_semaphore(%arg9 : memref<!tpu.dma_semaphore, #tpu.memory_space<semaphore_mem>>)
    %add3A_139 = arith.constant 170000 : i32
    %add3A_140 = arith.addi %add3A_139, %min3A_3 : i32
    %dma_start3A_141 = arith.constant 5712 : i32
    %dma_start3A_142 = tpu.memref_slice %arg7[%dma_start3A_141] : memref<10752xi32, #tpu.memory_space<vmem>> -> memref<336xi32, #tpu.memory_space<vmem>>
    %dma_start3A_143 = tpu.memref_slice %arg3[%add3A_140] : memref<320000xi32, #tpu.memory_space<hbm>> -> memref<336xi32, #tpu.memory_space<hbm>>
    %dma_start3A_144 = arith.constant 5712 : i32
    %dma_start3A_145 = tpu.memref_slice %arg7[%dma_start3A_144] : memref<10752xi32, #tpu.memory_space<vmem>> -> memref<336xi32, #tpu.memory_space<vmem>>
    %dma_start3A_146 = tpu.memref_slice %arg3[%add3A_140] : memref<320000xi32, #tpu.memory_space<hbm>> -> memref<336xi32, #tpu.memory_space<hbm>>
    tpu.enqueue_dma source(%dma_start3A_146 : memref<336xi32, #tpu.memory_space<hbm>>) target(%dma_start3A_145 : memref<336xi32, #tpu.memory_space<vmem>>) target_semaphore(%arg9 : memref<!tpu.dma_semaphore, #tpu.memory_space<semaphore_mem>>)
    %add3A_147 = arith.constant 180000 : i32
    %add3A_148 = arith.addi %add3A_147, %min3A_3 : i32
    %dma_start3A_149 = arith.constant 6048 : i32
    %dma_start3A_150 = tpu.memref_slice %arg7[%dma_start3A_149] : memref<10752xi32, #tpu.memory_space<vmem>> -> memref<336xi32, #tpu.memory_space<vmem>>
    %dma_start3A_151 = tpu.memref_slice %arg3[%add3A_148] : memref<320000xi32, #tpu.memory_space<hbm>> -> memref<336xi32, #tpu.memory_space<hbm>>
    %dma_start3A_152 = arith.constant 6048 : i32
    %dma_start3A_153 = tpu.memref_slice %arg7[%dma_start3A_152] : memref<10752xi32, #tpu.memory_space<vmem>> -> memref<336xi32, #tpu.memory_space<vmem>>
    %dma_start3A_154 = tpu.memref_slice %arg3[%add3A_148] : memref<320000xi32, #tpu.memory_space<hbm>> -> memref<336xi32, #tpu.memory_space<hbm>>
    tpu.enqueue_dma source(%dma_start3A_154 : memref<336xi32, #tpu.memory_space<hbm>>) target(%dma_start3A_153 : memref<336xi32, #tpu.memory_space<vmem>>) target_semaphore(%arg9 : memref<!tpu.dma_semaphore, #tpu.memory_space<semaphore_mem>>)
    %add3A_155 = arith.constant 190000 : i32
    %add3A_156 = arith.addi %add3A_155, %min3A_3 : i32
    %dma_start3A_157 = arith.constant 6384 : i32
    %dma_start3A_158 = tpu.memref_slice %arg7[%dma_start3A_157] : memref<10752xi32, #tpu.memory_space<vmem>> -> memref<336xi32, #tpu.memory_space<vmem>>
    %dma_start3A_159 = tpu.memref_slice %arg3[%add3A_156] : memref<320000xi32, #tpu.memory_space<hbm>> -> memref<336xi32, #tpu.memory_space<hbm>>
    %dma_start3A_160 = arith.constant 6384 : i32
    %dma_start3A_161 = tpu.memref_slice %arg7[%dma_start3A_160] : memref<10752xi32, #tpu.memory_space<vmem>> -> memref<336xi32, #tpu.memory_space<vmem>>
    %dma_start3A_162 = tpu.memref_slice %arg3[%add3A_156] : memref<320000xi32, #tpu.memory_space<hbm>> -> memref<336xi32, #tpu.memory_space<hbm>>
    tpu.enqueue_dma source(%dma_start3A_162 : memref<336xi32, #tpu.memory_space<hbm>>) target(%dma_start3A_161 : memref<336xi32, #tpu.memory_space<vmem>>) target_semaphore(%arg9 : memref<!tpu.dma_semaphore, #tpu.memory_space<semaphore_mem>>)
    %add3A_163 = arith.constant 200000 : i32
    %add3A_164 = arith.addi %add3A_163, %min3A_3 : i32
    %dma_start3A_165 = arith.constant 6720 : i32
    %dma_start3A_166 = tpu.memref_slice %arg7[%dma_start3A_165] : memref<10752xi32, #tpu.memory_space<vmem>> -> memref<336xi32, #tpu.memory_space<vmem>>
    %dma_start3A_167 = tpu.memref_slice %arg3[%add3A_164] : memref<320000xi32, #tpu.memory_space<hbm>> -> memref<336xi32, #tpu.memory_space<hbm>>
    %dma_start3A_168 = arith.constant 6720 : i32
    %dma_start3A_169 = tpu.memref_slice %arg7[%dma_start3A_168] : memref<10752xi32, #tpu.memory_space<vmem>> -> memref<336xi32, #tpu.memory_space<vmem>>
    %dma_start3A_170 = tpu.memref_slice %arg3[%add3A_164] : memref<320000xi32, #tpu.memory_space<hbm>> -> memref<336xi32, #tpu.memory_space<hbm>>
    tpu.enqueue_dma source(%dma_start3A_170 : memref<336xi32, #tpu.memory_space<hbm>>) target(%dma_start3A_169 : memref<336xi32, #tpu.memory_space<vmem>>) target_semaphore(%arg9 : memref<!tpu.dma_semaphore, #tpu.memory_space<semaphore_mem>>)
    %add3A_171 = arith.constant 210000 : i32
    %add3A_172 = arith.addi %add3A_171, %min3A_3 : i32
    %dma_start3A_173 = arith.constant 7056 : i32
    %dma_start3A_174 = tpu.memref_slice %arg7[%dma_start3A_173] : memref<10752xi32, #tpu.memory_space<vmem>> -> memref<336xi32, #tpu.memory_space<vmem>>
    %dma_start3A_175 = tpu.memref_slice %arg3[%add3A_172] : memref<320000xi32, #tpu.memory_space<hbm>> -> memref<336xi32, #tpu.memory_space<hbm>>
    %dma_start3A_176 = arith.constant 7056 : i32
    %dma_start3A_177 = tpu.memref_slice %arg7[%dma_start3A_176] : memref<10752xi32, #tpu.memory_space<vmem>> -> memref<336xi32, #tpu.memory_space<vmem>>
    %dma_start3A_178 = tpu.memref_slice %arg3[%add3A_172] : memref<320000xi32, #tpu.memory_space<hbm>> -> memref<336xi32, #tpu.memory_space<hbm>>
    tpu.enqueue_dma source(%dma_start3A_178 : memref<336xi32, #tpu.memory_space<hbm>>) target(%dma_start3A_177 : memref<336xi32, #tpu.memory_space<vmem>>) target_semaphore(%arg9 : memref<!tpu.dma_semaphore, #tpu.memory_space<semaphore_mem>>)
    %add3A_179 = arith.constant 220000 : i32
    %add3A_180 = arith.addi %add3A_179, %min3A_3 : i32
    %dma_start3A_181 = arith.constant 7392 : i32
    %dma_start3A_182 = tpu.memref_slice %arg7[%dma_start3A_181] : memref<10752xi32, #tpu.memory_space<vmem>> -> memref<336xi32, #tpu.memory_space<vmem>>
    %dma_start3A_183 = tpu.memref_slice %arg3[%add3A_180] : memref<320000xi32, #tpu.memory_space<hbm>> -> memref<336xi32, #tpu.memory_space<hbm>>
    %dma_start3A_184 = arith.constant 7392 : i32
    %dma_start3A_185 = tpu.memref_slice %arg7[%dma_start3A_184] : memref<10752xi32, #tpu.memory_space<vmem>> -> memref<336xi32, #tpu.memory_space<vmem>>
    %dma_start3A_186 = tpu.memref_slice %arg3[%add3A_180] : memref<320000xi32, #tpu.memory_space<hbm>> -> memref<336xi32, #tpu.memory_space<hbm>>
    tpu.enqueue_dma source(%dma_start3A_186 : memref<336xi32, #tpu.memory_space<hbm>>) target(%dma_start3A_185 : memref<336xi32, #tpu.memory_space<vmem>>) target_semaphore(%arg9 : memref<!tpu.dma_semaphore, #tpu.memory_space<semaphore_mem>>)
    %add3A_187 = arith.constant 230000 : i32
    %add3A_188 = arith.addi %add3A_187, %min3A_3 : i32
    %dma_start3A_189 = arith.constant 7728 : i32
    %dma_start3A_190 = tpu.memref_slice %arg7[%dma_start3A_189] : memref<10752xi32, #tpu.memory_space<vmem>> -> memref<336xi32, #tpu.memory_space<vmem>>
    %dma_start3A_191 = tpu.memref_slice %arg3[%add3A_188] : memref<320000xi32, #tpu.memory_space<hbm>> -> memref<336xi32, #tpu.memory_space<hbm>>
    %dma_start3A_192 = arith.constant 7728 : i32
    %dma_start3A_193 = tpu.memref_slice %arg7[%dma_start3A_192] : memref<10752xi32, #tpu.memory_space<vmem>> -> memref<336xi32, #tpu.memory_space<vmem>>
    %dma_start3A_194 = tpu.memref_slice %arg3[%add3A_188] : memref<320000xi32, #tpu.memory_space<hbm>> -> memref<336xi32, #tpu.memory_space<hbm>>
    tpu.enqueue_dma source(%dma_start3A_194 : memref<336xi32, #tpu.memory_space<hbm>>) target(%dma_start3A_193 : memref<336xi32, #tpu.memory_space<vmem>>) target_semaphore(%arg9 : memref<!tpu.dma_semaphore, #tpu.memory_space<semaphore_mem>>)
    %add3A_195 = arith.constant 240000 : i32
    %add3A_196 = arith.addi %add3A_195, %min3A_3 : i32
    %dma_start3A_197 = arith.constant 8064 : i32
    %dma_start3A_198 = tpu.memref_slice %arg7[%dma_start3A_197] : memref<10752xi32, #tpu.memory_space<vmem>> -> memref<336xi32, #tpu.memory_space<vmem>>
    %dma_start3A_199 = tpu.memref_slice %arg3[%add3A_196] : memref<320000xi32, #tpu.memory_space<hbm>> -> memref<336xi32, #tpu.memory_space<hbm>>
    %dma_start3A_200 = arith.constant 8064 : i32
    %dma_start3A_201 = tpu.memref_slice %arg7[%dma_start3A_200] : memref<10752xi32, #tpu.memory_space<vmem>> -> memref<336xi32, #tpu.memory_space<vmem>>
    %dma_start3A_202 = tpu.memref_slice %arg3[%add3A_196] : memref<320000xi32, #tpu.memory_space<hbm>> -> memref<336xi32, #tpu.memory_space<hbm>>
    tpu.enqueue_dma source(%dma_start3A_202 : memref<336xi32, #tpu.memory_space<hbm>>) target(%dma_start3A_201 : memref<336xi32, #tpu.memory_space<vmem>>) target_semaphore(%arg9 : memref<!tpu.dma_semaphore, #tpu.memory_space<semaphore_mem>>)
    %add3A_203 = arith.constant 250000 : i32
    %add3A_204 = arith.addi %add3A_203, %min3A_3 : i32
    %dma_start3A_205 = arith.constant 8400 : i32
    %dma_start3A_206 = tpu.memref_slice %arg7[%dma_start3A_205] : memref<10752xi32, #tpu.memory_space<vmem>> -> memref<336xi32, #tpu.memory_space<vmem>>
    %dma_start3A_207 = tpu.memref_slice %arg3[%add3A_204] : memref<320000xi32, #tpu.memory_space<hbm>> -> memref<336xi32, #tpu.memory_space<hbm>>
    %dma_start3A_208 = arith.constant 8400 : i32
    %dma_start3A_209 = tpu.memref_slice %arg7[%dma_start3A_208] : memref<10752xi32, #tpu.memory_space<vmem>> -> memref<336xi32, #tpu.memory_space<vmem>>
    %dma_start3A_210 = tpu.memref_slice %arg3[%add3A_204] : memref<320000xi32, #tpu.memory_space<hbm>> -> memref<336xi32, #tpu.memory_space<hbm>>
    tpu.enqueue_dma source(%dma_start3A_210 : memref<336xi32, #tpu.memory_space<hbm>>) target(%dma_start3A_209 : memref<336xi32, #tpu.memory_space<vmem>>) target_semaphore(%arg9 : memref<!tpu.dma_semaphore, #tpu.memory_space<semaphore_mem>>)
    %add3A_211 = arith.constant 260000 : i32
    %add3A_212 = arith.addi %add3A_211, %min3A_3 : i32
    %dma_start3A_213 = arith.constant 8736 : i32
    %dma_start3A_214 = tpu.memref_slice %arg7[%dma_start3A_213] : memref<10752xi32, #tpu.memory_space<vmem>> -> memref<336xi32, #tpu.memory_space<vmem>>
    %dma_start3A_215 = tpu.memref_slice %arg3[%add3A_212] : memref<320000xi32, #tpu.memory_space<hbm>> -> memref<336xi32, #tpu.memory_space<hbm>>
    %dma_start3A_216 = arith.constant 8736 : i32
    %dma_start3A_217 = tpu.memref_slice %arg7[%dma_start3A_216] : memref<10752xi32, #tpu.memory_space<vmem>> -> memref<336xi32, #tpu.memory_space<vmem>>
    %dma_start3A_218 = tpu.memref_slice %arg3[%add3A_212] : memref<320000xi32, #tpu.memory_space<hbm>> -> memref<336xi32, #tpu.memory_space<hbm>>
    tpu.enqueue_dma source(%dma_start3A_218 : memref<336xi32, #tpu.memory_space<hbm>>) target(%dma_start3A_217 : memref<336xi32, #tpu.memory_space<vmem>>) target_semaphore(%arg9 : memref<!tpu.dma_semaphore, #tpu.memory_space<semaphore_mem>>)
    %add3A_219 = arith.constant 270000 : i32
    %add3A_220 = arith.addi %add3A_219, %min3A_3 : i32
    %dma_start3A_221 = arith.constant 9072 : i32
    %dma_start3A_222 = tpu.memref_slice %arg7[%dma_start3A_221] : memref<10752xi32, #tpu.memory_space<vmem>> -> memref<336xi32, #tpu.memory_space<vmem>>
    %dma_start3A_223 = tpu.memref_slice %arg3[%add3A_220] : memref<320000xi32, #tpu.memory_space<hbm>> -> memref<336xi32, #tpu.memory_space<hbm>>
    %dma_start3A_224 = arith.constant 9072 : i32
    %dma_start3A_225 = tpu.memref_slice %arg7[%dma_start3A_224] : memref<10752xi32, #tpu.memory_space<vmem>> -> memref<336xi32, #tpu.memory_space<vmem>>
    %dma_start3A_226 = tpu.memref_slice %arg3[%add3A_220] : memref<320000xi32, #tpu.memory_space<hbm>> -> memref<336xi32, #tpu.memory_space<hbm>>
    tpu.enqueue_dma source(%dma_start3A_226 : memref<336xi32, #tpu.memory_space<hbm>>) target(%dma_start3A_225 : memref<336xi32, #tpu.memory_space<vmem>>) target_semaphore(%arg9 : memref<!tpu.dma_semaphore, #tpu.memory_space<semaphore_mem>>)
    %add3A_227 = arith.constant 280000 : i32
    %add3A_228 = arith.addi %add3A_227, %min3A_3 : i32
    %dma_start3A_229 = arith.constant 9408 : i32
    %dma_start3A_230 = tpu.memref_slice %arg7[%dma_start3A_229] : memref<10752xi32, #tpu.memory_space<vmem>> -> memref<336xi32, #tpu.memory_space<vmem>>
    %dma_start3A_231 = tpu.memref_slice %arg3[%add3A_228] : memref<320000xi32, #tpu.memory_space<hbm>> -> memref<336xi32, #tpu.memory_space<hbm>>
    %dma_start3A_232 = arith.constant 9408 : i32
    %dma_start3A_233 = tpu.memref_slice %arg7[%dma_start3A_232] : memref<10752xi32, #tpu.memory_space<vmem>> -> memref<336xi32, #tpu.memory_space<vmem>>
    %dma_start3A_234 = tpu.memref_slice %arg3[%add3A_228] : memref<320000xi32, #tpu.memory_space<hbm>> -> memref<336xi32, #tpu.memory_space<hbm>>
    tpu.enqueue_dma source(%dma_start3A_234 : memref<336xi32, #tpu.memory_space<hbm>>) target(%dma_start3A_233 : memref<336xi32, #tpu.memory_space<vmem>>) target_semaphore(%arg9 : memref<!tpu.dma_semaphore, #tpu.memory_space<semaphore_mem>>)
    %add3A_235 = arith.constant 290000 : i32
    %add3A_236 = arith.addi %add3A_235, %min3A_3 : i32
    %dma_start3A_237 = arith.constant 9744 : i32
    %dma_start3A_238 = tpu.memref_slice %arg7[%dma_start3A_237] : memref<10752xi32, #tpu.memory_space<vmem>> -> memref<336xi32, #tpu.memory_space<vmem>>
    %dma_start3A_239 = tpu.memref_slice %arg3[%add3A_236] : memref<320000xi32, #tpu.memory_space<hbm>> -> memref<336xi32, #tpu.memory_space<hbm>>
    %dma_start3A_240 = arith.constant 9744 : i32
    %dma_start3A_241 = tpu.memref_slice %arg7[%dma_start3A_240] : memref<10752xi32, #tpu.memory_space<vmem>> -> memref<336xi32, #tpu.memory_space<vmem>>
    %dma_start3A_242 = tpu.memref_slice %arg3[%add3A_236] : memref<320000xi32, #tpu.memory_space<hbm>> -> memref<336xi32, #tpu.memory_space<hbm>>
    tpu.enqueue_dma source(%dma_start3A_242 : memref<336xi32, #tpu.memory_space<hbm>>) target(%dma_start3A_241 : memref<336xi32, #tpu.memory_space<vmem>>) target_semaphore(%arg9 : memref<!tpu.dma_semaphore, #tpu.memory_space<semaphore_mem>>)
    %add3A_243 = arith.constant 300000 : i32
    %add3A_244 = arith.addi %add3A_243, %min3A_3 : i32
    %dma_start3A_245 = arith.constant 10080 : i32
    %dma_start3A_246 = tpu.memref_slice %arg7[%dma_start3A_245] : memref<10752xi32, #tpu.memory_space<vmem>> -> memref<336xi32, #tpu.memory_space<vmem>>
    %dma_start3A_247 = tpu.memref_slice %arg3[%add3A_244] : memref<320000xi32, #tpu.memory_space<hbm>> -> memref<336xi32, #tpu.memory_space<hbm>>
    %dma_start3A_248 = arith.constant 10080 : i32
    %dma_start3A_249 = tpu.memref_slice %arg7[%dma_start3A_248] : memref<10752xi32, #tpu.memory_space<vmem>> -> memref<336xi32, #tpu.memory_space<vmem>>
    %dma_start3A_250 = tpu.memref_slice %arg3[%add3A_244] : memref<320000xi32, #tpu.memory_space<hbm>> -> memref<336xi32, #tpu.memory_space<hbm>>
    tpu.enqueue_dma source(%dma_start3A_250 : memref<336xi32, #tpu.memory_space<hbm>>) target(%dma_start3A_249 : memref<336xi32, #tpu.memory_space<vmem>>) target_semaphore(%arg9 : memref<!tpu.dma_semaphore, #tpu.memory_space<semaphore_mem>>)
    %add3A_251 = arith.constant 310000 : i32
    %add3A_252 = arith.addi %add3A_251, %min3A_3 : i32
    %dma_start3A_253 = arith.constant 10416 : i32
    %dma_start3A_254 = tpu.memref_slice %arg7[%dma_start3A_253] : memref<10752xi32, #tpu.memory_space<vmem>> -> memref<336xi32, #tpu.memory_space<vmem>>
    %dma_start3A_255 = tpu.memref_slice %arg3[%add3A_252] : memref<320000xi32, #tpu.memory_space<hbm>> -> memref<336xi32, #tpu.memory_space<hbm>>
    %dma_start3A_256 = arith.constant 10416 : i32
    %dma_start3A_257 = tpu.memref_slice %arg7[%dma_start3A_256] : memref<10752xi32, #tpu.memory_space<vmem>> -> memref<336xi32, #tpu.memory_space<vmem>>
    %dma_start3A_258 = tpu.memref_slice %arg3[%add3A_252] : memref<320000xi32, #tpu.memory_space<hbm>> -> memref<336xi32, #tpu.memory_space<hbm>>
    tpu.enqueue_dma source(%dma_start3A_258 : memref<336xi32, #tpu.memory_space<hbm>>) target(%dma_start3A_257 : memref<336xi32, #tpu.memory_space<vmem>>) target_semaphore(%arg9 : memref<!tpu.dma_semaphore, #tpu.memory_space<semaphore_mem>>)
    %eq3A = arith.constant 0 : i32
    %eq3A_259 = arith.cmpi eq, %arg1, %eq3A : i32
    %convert_element_type3A = arith.extui %eq3A_259 : i1 to i32
    %cond3A = arith.constant 0 : i32
    %cond3A_260 = arith.cmpi ne, %convert_element_type3A, %cond3A : i32
    scf.if %cond3A_260 {
      "tpu.region"() ({
        %run_scoped3A = tpu.sem_alloc : memref<!tpu.dma_semaphore, #tpu.memory_space<semaphore_mem>>
        tpu.enqueue_dma source(%arg2 : memref<50000xf32, #tpu.memory_space<hbm>>) target(%arg5 : memref<50000xf32, #tpu.memory_space<vmem_shared>>) target_semaphore(%run_scoped3A : memref<!tpu.dma_semaphore, #tpu.memory_space<semaphore_mem>>)
        tpu.wait_dma2 semaphore(%run_scoped3A : memref<!tpu.dma_semaphore, #tpu.memory_space<semaphore_mem>>) src(%arg2 : memref<50000xf32, #tpu.memory_space<hbm>>) dst(%arg5 : memref<50000xf32, #tpu.memory_space<vmem_shared>>)
        tpu.yield
      }) : () -> ()
    } else {
    }
    %barrier3A = arith.constant 0 : index
    tpu.barrier barrier_id(%barrier3A)
    tpu.enqueue_dma source(%arg5 : memref<50000xf32, #tpu.memory_space<vmem_shared>>) target(%arg6 : memref<50000xf32, #tpu.memory_space<vmem>>) target_semaphore(%arg9 : memref<!tpu.dma_semaphore, #tpu.memory_space<semaphore_mem>>)
    %dma_wait3A = arith.constant 0 : i32
    %dma_wait3A_261 = tpu.memref_slice %arg7[%dma_wait3A] : memref<10752xi32, #tpu.memory_space<vmem>> -> memref<336xi32, #tpu.memory_space<vmem>>
    %dma_wait3A_262 = tpu.memref_slice %arg3[%add3A_5] : memref<320000xi32, #tpu.memory_space<hbm>> -> memref<336xi32, #tpu.memory_space<hbm>>
    %dma_wait3A_263 = arith.constant 0 : i32
    %dma_wait3A_264 = tpu.memref_slice %arg7[%dma_wait3A_263] : memref<10752xi32, #tpu.memory_space<vmem>> -> memref<336xi32, #tpu.memory_space<vmem>>
    %dma_wait3A_265 = tpu.memref_slice %arg3[%add3A_5] : memref<320000xi32, #tpu.memory_space<hbm>> -> memref<336xi32, #tpu.memory_space<hbm>>
    tpu.wait_dma2 semaphore(%arg9 : memref<!tpu.dma_semaphore, #tpu.memory_space<semaphore_mem>>) src(%dma_wait3A_265 : memref<336xi32, #tpu.memory_space<hbm>>) dst(%dma_wait3A_264 : memref<336xi32, #tpu.memory_space<vmem>>)
    %dma_wait3A_266 = arith.constant 336 : i32
    %dma_wait3A_267 = tpu.memref_slice %arg7[%dma_wait3A_266] : memref<10752xi32, #tpu.memory_space<vmem>> -> memref<336xi32, #tpu.memory_space<vmem>>
    %dma_wait3A_268 = tpu.memref_slice %arg3[%add3A_12] : memref<320000xi32, #tpu.memory_space<hbm>> -> memref<336xi32, #tpu.memory_space<hbm>>
    %dma_wait3A_269 = arith.constant 336 : i32
    %dma_wait3A_270 = tpu.memref_slice %arg7[%dma_wait3A_269] : memref<10752xi32, #tpu.memory_space<vmem>> -> memref<336xi32, #tpu.memory_space<vmem>>
    %dma_wait3A_271 = tpu.memref_slice %arg3[%add3A_12] : memref<320000xi32, #tpu.memory_space<hbm>> -> memref<336xi32, #tpu.memory_space<hbm>>
    tpu.wait_dma2 semaphore(%arg9 : memref<!tpu.dma_semaphore, #tpu.memory_space<semaphore_mem>>) src(%dma_wait3A_271 : memref<336xi32, #tpu.memory_space<hbm>>) dst(%dma_wait3A_270 : memref<336xi32, #tpu.memory_space<vmem>>)
    %dma_wait3A_272 = arith.constant 672 : i32
    %dma_wait3A_273 = tpu.memref_slice %arg7[%dma_wait3A_272] : memref<10752xi32, #tpu.memory_space<vmem>> -> memref<336xi32, #tpu.memory_space<vmem>>
    %dma_wait3A_274 = tpu.memref_slice %arg3[%add3A_20] : memref<320000xi32, #tpu.memory_space<hbm>> -> memref<336xi32, #tpu.memory_space<hbm>>
    %dma_wait3A_275 = arith.constant 672 : i32
    %dma_wait3A_276 = tpu.memref_slice %arg7[%dma_wait3A_275] : memref<10752xi32, #tpu.memory_space<vmem>> -> memref<336xi32, #tpu.memory_space<vmem>>
    %dma_wait3A_277 = tpu.memref_slice %arg3[%add3A_20] : memref<320000xi32, #tpu.memory_space<hbm>> -> memref<336xi32, #tpu.memory_space<hbm>>
    tpu.wait_dma2 semaphore(%arg9 : memref<!tpu.dma_semaphore, #tpu.memory_space<semaphore_mem>>) src(%dma_wait3A_277 : memref<336xi32, #tpu.memory_space<hbm>>) dst(%dma_wait3A_276 : memref<336xi32, #tpu.memory_space<vmem>>)
    %dma_wait3A_278 = arith.constant 1008 : i32
    %dma_wait3A_279 = tpu.memref_slice %arg7[%dma_wait3A_278] : memref<10752xi32, #tpu.memory_space<vmem>> -> memref<336xi32, #tpu.memory_space<vmem>>
    %dma_wait3A_280 = tpu.memref_slice %arg3[%add3A_28] : memref<320000xi32, #tpu.memory_space<hbm>> -> memref<336xi32, #tpu.memory_space<hbm>>
    %dma_wait3A_281 = arith.constant 1008 : i32
    %dma_wait3A_282 = tpu.memref_slice %arg7[%dma_wait3A_281] : memref<10752xi32, #tpu.memory_space<vmem>> -> memref<336xi32, #tpu.memory_space<vmem>>
    %dma_wait3A_283 = tpu.memref_slice %arg3[%add3A_28] : memref<320000xi32, #tpu.memory_space<hbm>> -> memref<336xi32, #tpu.memory_space<hbm>>
    tpu.wait_dma2 semaphore(%arg9 : memref<!tpu.dma_semaphore, #tpu.memory_space<semaphore_mem>>) src(%dma_wait3A_283 : memref<336xi32, #tpu.memory_space<hbm>>) dst(%dma_wait3A_282 : memref<336xi32, #tpu.memory_space<vmem>>)
    %dma_wait3A_284 = arith.constant 1344 : i32
    %dma_wait3A_285 = tpu.memref_slice %arg7[%dma_wait3A_284] : memref<10752xi32, #tpu.memory_space<vmem>> -> memref<336xi32, #tpu.memory_space<vmem>>
    %dma_wait3A_286 = tpu.memref_slice %arg3[%add3A_36] : memref<320000xi32, #tpu.memory_space<hbm>> -> memref<336xi32, #tpu.memory_space<hbm>>
    %dma_wait3A_287 = arith.constant 1344 : i32
    %dma_wait3A_288 = tpu.memref_slice %arg7[%dma_wait3A_287] : memref<10752xi32, #tpu.memory_space<vmem>> -> memref<336xi32, #tpu.memory_space<vmem>>
    %dma_wait3A_289 = tpu.memref_slice %arg3[%add3A_36] : memref<320000xi32, #tpu.memory_space<hbm>> -> memref<336xi32, #tpu.memory_space<hbm>>
    tpu.wait_dma2 semaphore(%arg9 : memref<!tpu.dma_semaphore, #tpu.memory_space<semaphore_mem>>) src(%dma_wait3A_289 : memref<336xi32, #tpu.memory_space<hbm>>) dst(%dma_wait3A_288 : memref<336xi32, #tpu.memory_space<vmem>>)
    %dma_wait3A_290 = arith.constant 1680 : i32
    %dma_wait3A_291 = tpu.memref_slice %arg7[%dma_wait3A_290] : memref<10752xi32, #tpu.memory_space<vmem>> -> memref<336xi32, #tpu.memory_space<vmem>>
    %dma_wait3A_292 = tpu.memref_slice %arg3[%add3A_44] : memref<320000xi32, #tpu.memory_space<hbm>> -> memref<336xi32, #tpu.memory_space<hbm>>
    %dma_wait3A_293 = arith.constant 1680 : i32
    %dma_wait3A_294 = tpu.memref_slice %arg7[%dma_wait3A_293] : memref<10752xi32, #tpu.memory_space<vmem>> -> memref<336xi32, #tpu.memory_space<vmem>>
    %dma_wait3A_295 = tpu.memref_slice %arg3[%add3A_44] : memref<320000xi32, #tpu.memory_space<hbm>> -> memref<336xi32, #tpu.memory_space<hbm>>
    tpu.wait_dma2 semaphore(%arg9 : memref<!tpu.dma_semaphore, #tpu.memory_space<semaphore_mem>>) src(%dma_wait3A_295 : memref<336xi32, #tpu.memory_space<hbm>>) dst(%dma_wait3A_294 : memref<336xi32, #tpu.memory_space<vmem>>)
    %dma_wait3A_296 = arith.constant 2016 : i32
    %dma_wait3A_297 = tpu.memref_slice %arg7[%dma_wait3A_296] : memref<10752xi32, #tpu.memory_space<vmem>> -> memref<336xi32, #tpu.memory_space<vmem>>
    %dma_wait3A_298 = tpu.memref_slice %arg3[%add3A_52] : memref<320000xi32, #tpu.memory_space<hbm>> -> memref<336xi32, #tpu.memory_space<hbm>>
    %dma_wait3A_299 = arith.constant 2016 : i32
    %dma_wait3A_300 = tpu.memref_slice %arg7[%dma_wait3A_299] : memref<10752xi32, #tpu.memory_space<vmem>> -> memref<336xi32, #tpu.memory_space<vmem>>
    %dma_wait3A_301 = tpu.memref_slice %arg3[%add3A_52] : memref<320000xi32, #tpu.memory_space<hbm>> -> memref<336xi32, #tpu.memory_space<hbm>>
    tpu.wait_dma2 semaphore(%arg9 : memref<!tpu.dma_semaphore, #tpu.memory_space<semaphore_mem>>) src(%dma_wait3A_301 : memref<336xi32, #tpu.memory_space<hbm>>) dst(%dma_wait3A_300 : memref<336xi32, #tpu.memory_space<vmem>>)
    %dma_wait3A_302 = arith.constant 2352 : i32
    %dma_wait3A_303 = tpu.memref_slice %arg7[%dma_wait3A_302] : memref<10752xi32, #tpu.memory_space<vmem>> -> memref<336xi32, #tpu.memory_space<vmem>>
    %dma_wait3A_304 = tpu.memref_slice %arg3[%add3A_60] : memref<320000xi32, #tpu.memory_space<hbm>> -> memref<336xi32, #tpu.memory_space<hbm>>
    %dma_wait3A_305 = arith.constant 2352 : i32
    %dma_wait3A_306 = tpu.memref_slice %arg7[%dma_wait3A_305] : memref<10752xi32, #tpu.memory_space<vmem>> -> memref<336xi32, #tpu.memory_space<vmem>>
    %dma_wait3A_307 = tpu.memref_slice %arg3[%add3A_60] : memref<320000xi32, #tpu.memory_space<hbm>> -> memref<336xi32, #tpu.memory_space<hbm>>
    tpu.wait_dma2 semaphore(%arg9 : memref<!tpu.dma_semaphore, #tpu.memory_space<semaphore_mem>>) src(%dma_wait3A_307 : memref<336xi32, #tpu.memory_space<hbm>>) dst(%dma_wait3A_306 : memref<336xi32, #tpu.memory_space<vmem>>)
    %dma_wait3A_308 = arith.constant 2688 : i32
    %dma_wait3A_309 = tpu.memref_slice %arg7[%dma_wait3A_308] : memref<10752xi32, #tpu.memory_space<vmem>> -> memref<336xi32, #tpu.memory_space<vmem>>
    %dma_wait3A_310 = tpu.memref_slice %arg3[%add3A_68] : memref<320000xi32, #tpu.memory_space<hbm>> -> memref<336xi32, #tpu.memory_space<hbm>>
    %dma_wait3A_311 = arith.constant 2688 : i32
    %dma_wait3A_312 = tpu.memref_slice %arg7[%dma_wait3A_311] : memref<10752xi32, #tpu.memory_space<vmem>> -> memref<336xi32, #tpu.memory_space<vmem>>
    %dma_wait3A_313 = tpu.memref_slice %arg3[%add3A_68] : memref<320000xi32, #tpu.memory_space<hbm>> -> memref<336xi32, #tpu.memory_space<hbm>>
    tpu.wait_dma2 semaphore(%arg9 : memref<!tpu.dma_semaphore, #tpu.memory_space<semaphore_mem>>) src(%dma_wait3A_313 : memref<336xi32, #tpu.memory_space<hbm>>) dst(%dma_wait3A_312 : memref<336xi32, #tpu.memory_space<vmem>>)
    %dma_wait3A_314 = arith.constant 3024 : i32
    %dma_wait3A_315 = tpu.memref_slice %arg7[%dma_wait3A_314] : memref<10752xi32, #tpu.memory_space<vmem>> -> memref<336xi32, #tpu.memory_space<vmem>>
    %dma_wait3A_316 = tpu.memref_slice %arg3[%add3A_76] : memref<320000xi32, #tpu.memory_space<hbm>> -> memref<336xi32, #tpu.memory_space<hbm>>
    %dma_wait3A_317 = arith.constant 3024 : i32
    %dma_wait3A_318 = tpu.memref_slice %arg7[%dma_wait3A_317] : memref<10752xi32, #tpu.memory_space<vmem>> -> memref<336xi32, #tpu.memory_space<vmem>>
    %dma_wait3A_319 = tpu.memref_slice %arg3[%add3A_76] : memref<320000xi32, #tpu.memory_space<hbm>> -> memref<336xi32, #tpu.memory_space<hbm>>
    tpu.wait_dma2 semaphore(%arg9 : memref<!tpu.dma_semaphore, #tpu.memory_space<semaphore_mem>>) src(%dma_wait3A_319 : memref<336xi32, #tpu.memory_space<hbm>>) dst(%dma_wait3A_318 : memref<336xi32, #tpu.memory_space<vmem>>)
    %dma_wait3A_320 = arith.constant 3360 : i32
    %dma_wait3A_321 = tpu.memref_slice %arg7[%dma_wait3A_320] : memref<10752xi32, #tpu.memory_space<vmem>> -> memref<336xi32, #tpu.memory_space<vmem>>
    %dma_wait3A_322 = tpu.memref_slice %arg3[%add3A_84] : memref<320000xi32, #tpu.memory_space<hbm>> -> memref<336xi32, #tpu.memory_space<hbm>>
    %dma_wait3A_323 = arith.constant 3360 : i32
    %dma_wait3A_324 = tpu.memref_slice %arg7[%dma_wait3A_323] : memref<10752xi32, #tpu.memory_space<vmem>> -> memref<336xi32, #tpu.memory_space<vmem>>
    %dma_wait3A_325 = tpu.memref_slice %arg3[%add3A_84] : memref<320000xi32, #tpu.memory_space<hbm>> -> memref<336xi32, #tpu.memory_space<hbm>>
    tpu.wait_dma2 semaphore(%arg9 : memref<!tpu.dma_semaphore, #tpu.memory_space<semaphore_mem>>) src(%dma_wait3A_325 : memref<336xi32, #tpu.memory_space<hbm>>) dst(%dma_wait3A_324 : memref<336xi32, #tpu.memory_space<vmem>>)
    %dma_wait3A_326 = arith.constant 3696 : i32
    %dma_wait3A_327 = tpu.memref_slice %arg7[%dma_wait3A_326] : memref<10752xi32, #tpu.memory_space<vmem>> -> memref<336xi32, #tpu.memory_space<vmem>>
    %dma_wait3A_328 = tpu.memref_slice %arg3[%add3A_92] : memref<320000xi32, #tpu.memory_space<hbm>> -> memref<336xi32, #tpu.memory_space<hbm>>
    %dma_wait3A_329 = arith.constant 3696 : i32
    %dma_wait3A_330 = tpu.memref_slice %arg7[%dma_wait3A_329] : memref<10752xi32, #tpu.memory_space<vmem>> -> memref<336xi32, #tpu.memory_space<vmem>>
    %dma_wait3A_331 = tpu.memref_slice %arg3[%add3A_92] : memref<320000xi32, #tpu.memory_space<hbm>> -> memref<336xi32, #tpu.memory_space<hbm>>
    tpu.wait_dma2 semaphore(%arg9 : memref<!tpu.dma_semaphore, #tpu.memory_space<semaphore_mem>>) src(%dma_wait3A_331 : memref<336xi32, #tpu.memory_space<hbm>>) dst(%dma_wait3A_330 : memref<336xi32, #tpu.memory_space<vmem>>)
    %dma_wait3A_332 = arith.constant 4032 : i32
    %dma_wait3A_333 = tpu.memref_slice %arg7[%dma_wait3A_332] : memref<10752xi32, #tpu.memory_space<vmem>> -> memref<336xi32, #tpu.memory_space<vmem>>
    %dma_wait3A_334 = tpu.memref_slice %arg3[%add3A_100] : memref<320000xi32, #tpu.memory_space<hbm>> -> memref<336xi32, #tpu.memory_space<hbm>>
    %dma_wait3A_335 = arith.constant 4032 : i32
    %dma_wait3A_336 = tpu.memref_slice %arg7[%dma_wait3A_335] : memref<10752xi32, #tpu.memory_space<vmem>> -> memref<336xi32, #tpu.memory_space<vmem>>
    %dma_wait3A_337 = tpu.memref_slice %arg3[%add3A_100] : memref<320000xi32, #tpu.memory_space<hbm>> -> memref<336xi32, #tpu.memory_space<hbm>>
    tpu.wait_dma2 semaphore(%arg9 : memref<!tpu.dma_semaphore, #tpu.memory_space<semaphore_mem>>) src(%dma_wait3A_337 : memref<336xi32, #tpu.memory_space<hbm>>) dst(%dma_wait3A_336 : memref<336xi32, #tpu.memory_space<vmem>>)
    %dma_wait3A_338 = arith.constant 4368 : i32
    %dma_wait3A_339 = tpu.memref_slice %arg7[%dma_wait3A_338] : memref<10752xi32, #tpu.memory_space<vmem>> -> memref<336xi32, #tpu.memory_space<vmem>>
    %dma_wait3A_340 = tpu.memref_slice %arg3[%add3A_108] : memref<320000xi32, #tpu.memory_space<hbm>> -> memref<336xi32, #tpu.memory_space<hbm>>
    %dma_wait3A_341 = arith.constant 4368 : i32
    %dma_wait3A_342 = tpu.memref_slice %arg7[%dma_wait3A_341] : memref<10752xi32, #tpu.memory_space<vmem>> -> memref<336xi32, #tpu.memory_space<vmem>>
    %dma_wait3A_343 = tpu.memref_slice %arg3[%add3A_108] : memref<320000xi32, #tpu.memory_space<hbm>> -> memref<336xi32, #tpu.memory_space<hbm>>
    tpu.wait_dma2 semaphore(%arg9 : memref<!tpu.dma_semaphore, #tpu.memory_space<semaphore_mem>>) src(%dma_wait3A_343 : memref<336xi32, #tpu.memory_space<hbm>>) dst(%dma_wait3A_342 : memref<336xi32, #tpu.memory_space<vmem>>)
    %dma_wait3A_344 = arith.constant 4704 : i32
    %dma_wait3A_345 = tpu.memref_slice %arg7[%dma_wait3A_344] : memref<10752xi32, #tpu.memory_space<vmem>> -> memref<336xi32, #tpu.memory_space<vmem>>
    %dma_wait3A_346 = tpu.memref_slice %arg3[%add3A_116] : memref<320000xi32, #tpu.memory_space<hbm>> -> memref<336xi32, #tpu.memory_space<hbm>>
    %dma_wait3A_347 = arith.constant 4704 : i32
    %dma_wait3A_348 = tpu.memref_slice %arg7[%dma_wait3A_347] : memref<10752xi32, #tpu.memory_space<vmem>> -> memref<336xi32, #tpu.memory_space<vmem>>
    %dma_wait3A_349 = tpu.memref_slice %arg3[%add3A_116] : memref<320000xi32, #tpu.memory_space<hbm>> -> memref<336xi32, #tpu.memory_space<hbm>>
    tpu.wait_dma2 semaphore(%arg9 : memref<!tpu.dma_semaphore, #tpu.memory_space<semaphore_mem>>) src(%dma_wait3A_349 : memref<336xi32, #tpu.memory_space<hbm>>) dst(%dma_wait3A_348 : memref<336xi32, #tpu.memory_space<vmem>>)
    %dma_wait3A_350 = arith.constant 5040 : i32
    %dma_wait3A_351 = tpu.memref_slice %arg7[%dma_wait3A_350] : memref<10752xi32, #tpu.memory_space<vmem>> -> memref<336xi32, #tpu.memory_space<vmem>>
    %dma_wait3A_352 = tpu.memref_slice %arg3[%add3A_124] : memref<320000xi32, #tpu.memory_space<hbm>> -> memref<336xi32, #tpu.memory_space<hbm>>
    %dma_wait3A_353 = arith.constant 5040 : i32
    %dma_wait3A_354 = tpu.memref_slice %arg7[%dma_wait3A_353] : memref<10752xi32, #tpu.memory_space<vmem>> -> memref<336xi32, #tpu.memory_space<vmem>>
    %dma_wait3A_355 = tpu.memref_slice %arg3[%add3A_124] : memref<320000xi32, #tpu.memory_space<hbm>> -> memref<336xi32, #tpu.memory_space<hbm>>
    tpu.wait_dma2 semaphore(%arg9 : memref<!tpu.dma_semaphore, #tpu.memory_space<semaphore_mem>>) src(%dma_wait3A_355 : memref<336xi32, #tpu.memory_space<hbm>>) dst(%dma_wait3A_354 : memref<336xi32, #tpu.memory_space<vmem>>)
    %dma_wait3A_356 = arith.constant 5376 : i32
    %dma_wait3A_357 = tpu.memref_slice %arg7[%dma_wait3A_356] : memref<10752xi32, #tpu.memory_space<vmem>> -> memref<336xi32, #tpu.memory_space<vmem>>
    %dma_wait3A_358 = tpu.memref_slice %arg3[%add3A_132] : memref<320000xi32, #tpu.memory_space<hbm>> -> memref<336xi32, #tpu.memory_space<hbm>>
    %dma_wait3A_359 = arith.constant 5376 : i32
    %dma_wait3A_360 = tpu.memref_slice %arg7[%dma_wait3A_359] : memref<10752xi32, #tpu.memory_space<vmem>> -> memref<336xi32, #tpu.memory_space<vmem>>
    %dma_wait3A_361 = tpu.memref_slice %arg3[%add3A_132] : memref<320000xi32, #tpu.memory_space<hbm>> -> memref<336xi32, #tpu.memory_space<hbm>>
    tpu.wait_dma2 semaphore(%arg9 : memref<!tpu.dma_semaphore, #tpu.memory_space<semaphore_mem>>) src(%dma_wait3A_361 : memref<336xi32, #tpu.memory_space<hbm>>) dst(%dma_wait3A_360 : memref<336xi32, #tpu.memory_space<vmem>>)
    %dma_wait3A_362 = arith.constant 5712 : i32
    %dma_wait3A_363 = tpu.memref_slice %arg7[%dma_wait3A_362] : memref<10752xi32, #tpu.memory_space<vmem>> -> memref<336xi32, #tpu.memory_space<vmem>>
    %dma_wait3A_364 = tpu.memref_slice %arg3[%add3A_140] : memref<320000xi32, #tpu.memory_space<hbm>> -> memref<336xi32, #tpu.memory_space<hbm>>
    %dma_wait3A_365 = arith.constant 5712 : i32
    %dma_wait3A_366 = tpu.memref_slice %arg7[%dma_wait3A_365] : memref<10752xi32, #tpu.memory_space<vmem>> -> memref<336xi32, #tpu.memory_space<vmem>>
    %dma_wait3A_367 = tpu.memref_slice %arg3[%add3A_140] : memref<320000xi32, #tpu.memory_space<hbm>> -> memref<336xi32, #tpu.memory_space<hbm>>
    tpu.wait_dma2 semaphore(%arg9 : memref<!tpu.dma_semaphore, #tpu.memory_space<semaphore_mem>>) src(%dma_wait3A_367 : memref<336xi32, #tpu.memory_space<hbm>>) dst(%dma_wait3A_366 : memref<336xi32, #tpu.memory_space<vmem>>)
    %dma_wait3A_368 = arith.constant 6048 : i32
    %dma_wait3A_369 = tpu.memref_slice %arg7[%dma_wait3A_368] : memref<10752xi32, #tpu.memory_space<vmem>> -> memref<336xi32, #tpu.memory_space<vmem>>
    %dma_wait3A_370 = tpu.memref_slice %arg3[%add3A_148] : memref<320000xi32, #tpu.memory_space<hbm>> -> memref<336xi32, #tpu.memory_space<hbm>>
    %dma_wait3A_371 = arith.constant 6048 : i32
    %dma_wait3A_372 = tpu.memref_slice %arg7[%dma_wait3A_371] : memref<10752xi32, #tpu.memory_space<vmem>> -> memref<336xi32, #tpu.memory_space<vmem>>
    %dma_wait3A_373 = tpu.memref_slice %arg3[%add3A_148] : memref<320000xi32, #tpu.memory_space<hbm>> -> memref<336xi32, #tpu.memory_space<hbm>>
    tpu.wait_dma2 semaphore(%arg9 : memref<!tpu.dma_semaphore, #tpu.memory_space<semaphore_mem>>) src(%dma_wait3A_373 : memref<336xi32, #tpu.memory_space<hbm>>) dst(%dma_wait3A_372 : memref<336xi32, #tpu.memory_space<vmem>>)
    %dma_wait3A_374 = arith.constant 6384 : i32
    %dma_wait3A_375 = tpu.memref_slice %arg7[%dma_wait3A_374] : memref<10752xi32, #tpu.memory_space<vmem>> -> memref<336xi32, #tpu.memory_space<vmem>>
    %dma_wait3A_376 = tpu.memref_slice %arg3[%add3A_156] : memref<320000xi32, #tpu.memory_space<hbm>> -> memref<336xi32, #tpu.memory_space<hbm>>
    %dma_wait3A_377 = arith.constant 6384 : i32
    %dma_wait3A_378 = tpu.memref_slice %arg7[%dma_wait3A_377] : memref<10752xi32, #tpu.memory_space<vmem>> -> memref<336xi32, #tpu.memory_space<vmem>>
    %dma_wait3A_379 = tpu.memref_slice %arg3[%add3A_156] : memref<320000xi32, #tpu.memory_space<hbm>> -> memref<336xi32, #tpu.memory_space<hbm>>
    tpu.wait_dma2 semaphore(%arg9 : memref<!tpu.dma_semaphore, #tpu.memory_space<semaphore_mem>>) src(%dma_wait3A_379 : memref<336xi32, #tpu.memory_space<hbm>>) dst(%dma_wait3A_378 : memref<336xi32, #tpu.memory_space<vmem>>)
    %dma_wait3A_380 = arith.constant 6720 : i32
    %dma_wait3A_381 = tpu.memref_slice %arg7[%dma_wait3A_380] : memref<10752xi32, #tpu.memory_space<vmem>> -> memref<336xi32, #tpu.memory_space<vmem>>
    %dma_wait3A_382 = tpu.memref_slice %arg3[%add3A_164] : memref<320000xi32, #tpu.memory_space<hbm>> -> memref<336xi32, #tpu.memory_space<hbm>>
    %dma_wait3A_383 = arith.constant 6720 : i32
    %dma_wait3A_384 = tpu.memref_slice %arg7[%dma_wait3A_383] : memref<10752xi32, #tpu.memory_space<vmem>> -> memref<336xi32, #tpu.memory_space<vmem>>
    %dma_wait3A_385 = tpu.memref_slice %arg3[%add3A_164] : memref<320000xi32, #tpu.memory_space<hbm>> -> memref<336xi32, #tpu.memory_space<hbm>>
    tpu.wait_dma2 semaphore(%arg9 : memref<!tpu.dma_semaphore, #tpu.memory_space<semaphore_mem>>) src(%dma_wait3A_385 : memref<336xi32, #tpu.memory_space<hbm>>) dst(%dma_wait3A_384 : memref<336xi32, #tpu.memory_space<vmem>>)
    %dma_wait3A_386 = arith.constant 7056 : i32
    %dma_wait3A_387 = tpu.memref_slice %arg7[%dma_wait3A_386] : memref<10752xi32, #tpu.memory_space<vmem>> -> memref<336xi32, #tpu.memory_space<vmem>>
    %dma_wait3A_388 = tpu.memref_slice %arg3[%add3A_172] : memref<320000xi32, #tpu.memory_space<hbm>> -> memref<336xi32, #tpu.memory_space<hbm>>
    %dma_wait3A_389 = arith.constant 7056 : i32
    %dma_wait3A_390 = tpu.memref_slice %arg7[%dma_wait3A_389] : memref<10752xi32, #tpu.memory_space<vmem>> -> memref<336xi32, #tpu.memory_space<vmem>>
    %dma_wait3A_391 = tpu.memref_slice %arg3[%add3A_172] : memref<320000xi32, #tpu.memory_space<hbm>> -> memref<336xi32, #tpu.memory_space<hbm>>
    tpu.wait_dma2 semaphore(%arg9 : memref<!tpu.dma_semaphore, #tpu.memory_space<semaphore_mem>>) src(%dma_wait3A_391 : memref<336xi32, #tpu.memory_space<hbm>>) dst(%dma_wait3A_390 : memref<336xi32, #tpu.memory_space<vmem>>)
    %dma_wait3A_392 = arith.constant 7392 : i32
    %dma_wait3A_393 = tpu.memref_slice %arg7[%dma_wait3A_392] : memref<10752xi32, #tpu.memory_space<vmem>> -> memref<336xi32, #tpu.memory_space<vmem>>
    %dma_wait3A_394 = tpu.memref_slice %arg3[%add3A_180] : memref<320000xi32, #tpu.memory_space<hbm>> -> memref<336xi32, #tpu.memory_space<hbm>>
    %dma_wait3A_395 = arith.constant 7392 : i32
    %dma_wait3A_396 = tpu.memref_slice %arg7[%dma_wait3A_395] : memref<10752xi32, #tpu.memory_space<vmem>> -> memref<336xi32, #tpu.memory_space<vmem>>
    %dma_wait3A_397 = tpu.memref_slice %arg3[%add3A_180] : memref<320000xi32, #tpu.memory_space<hbm>> -> memref<336xi32, #tpu.memory_space<hbm>>
    tpu.wait_dma2 semaphore(%arg9 : memref<!tpu.dma_semaphore, #tpu.memory_space<semaphore_mem>>) src(%dma_wait3A_397 : memref<336xi32, #tpu.memory_space<hbm>>) dst(%dma_wait3A_396 : memref<336xi32, #tpu.memory_space<vmem>>)
    %dma_wait3A_398 = arith.constant 7728 : i32
    %dma_wait3A_399 = tpu.memref_slice %arg7[%dma_wait3A_398] : memref<10752xi32, #tpu.memory_space<vmem>> -> memref<336xi32, #tpu.memory_space<vmem>>
    %dma_wait3A_400 = tpu.memref_slice %arg3[%add3A_188] : memref<320000xi32, #tpu.memory_space<hbm>> -> memref<336xi32, #tpu.memory_space<hbm>>
    %dma_wait3A_401 = arith.constant 7728 : i32
    %dma_wait3A_402 = tpu.memref_slice %arg7[%dma_wait3A_401] : memref<10752xi32, #tpu.memory_space<vmem>> -> memref<336xi32, #tpu.memory_space<vmem>>
    %dma_wait3A_403 = tpu.memref_slice %arg3[%add3A_188] : memref<320000xi32, #tpu.memory_space<hbm>> -> memref<336xi32, #tpu.memory_space<hbm>>
    tpu.wait_dma2 semaphore(%arg9 : memref<!tpu.dma_semaphore, #tpu.memory_space<semaphore_mem>>) src(%dma_wait3A_403 : memref<336xi32, #tpu.memory_space<hbm>>) dst(%dma_wait3A_402 : memref<336xi32, #tpu.memory_space<vmem>>)
    %dma_wait3A_404 = arith.constant 8064 : i32
    %dma_wait3A_405 = tpu.memref_slice %arg7[%dma_wait3A_404] : memref<10752xi32, #tpu.memory_space<vmem>> -> memref<336xi32, #tpu.memory_space<vmem>>
    %dma_wait3A_406 = tpu.memref_slice %arg3[%add3A_196] : memref<320000xi32, #tpu.memory_space<hbm>> -> memref<336xi32, #tpu.memory_space<hbm>>
    %dma_wait3A_407 = arith.constant 8064 : i32
    %dma_wait3A_408 = tpu.memref_slice %arg7[%dma_wait3A_407] : memref<10752xi32, #tpu.memory_space<vmem>> -> memref<336xi32, #tpu.memory_space<vmem>>
    %dma_wait3A_409 = tpu.memref_slice %arg3[%add3A_196] : memref<320000xi32, #tpu.memory_space<hbm>> -> memref<336xi32, #tpu.memory_space<hbm>>
    tpu.wait_dma2 semaphore(%arg9 : memref<!tpu.dma_semaphore, #tpu.memory_space<semaphore_mem>>) src(%dma_wait3A_409 : memref<336xi32, #tpu.memory_space<hbm>>) dst(%dma_wait3A_408 : memref<336xi32, #tpu.memory_space<vmem>>)
    %dma_wait3A_410 = arith.constant 8400 : i32
    %dma_wait3A_411 = tpu.memref_slice %arg7[%dma_wait3A_410] : memref<10752xi32, #tpu.memory_space<vmem>> -> memref<336xi32, #tpu.memory_space<vmem>>
    %dma_wait3A_412 = tpu.memref_slice %arg3[%add3A_204] : memref<320000xi32, #tpu.memory_space<hbm>> -> memref<336xi32, #tpu.memory_space<hbm>>
    %dma_wait3A_413 = arith.constant 8400 : i32
    %dma_wait3A_414 = tpu.memref_slice %arg7[%dma_wait3A_413] : memref<10752xi32, #tpu.memory_space<vmem>> -> memref<336xi32, #tpu.memory_space<vmem>>
    %dma_wait3A_415 = tpu.memref_slice %arg3[%add3A_204] : memref<320000xi32, #tpu.memory_space<hbm>> -> memref<336xi32, #tpu.memory_space<hbm>>
    tpu.wait_dma2 semaphore(%arg9 : memref<!tpu.dma_semaphore, #tpu.memory_space<semaphore_mem>>) src(%dma_wait3A_415 : memref<336xi32, #tpu.memory_space<hbm>>) dst(%dma_wait3A_414 : memref<336xi32, #tpu.memory_space<vmem>>)
    %dma_wait3A_416 = arith.constant 8736 : i32
    %dma_wait3A_417 = tpu.memref_slice %arg7[%dma_wait3A_416] : memref<10752xi32, #tpu.memory_space<vmem>> -> memref<336xi32, #tpu.memory_space<vmem>>
    %dma_wait3A_418 = tpu.memref_slice %arg3[%add3A_212] : memref<320000xi32, #tpu.memory_space<hbm>> -> memref<336xi32, #tpu.memory_space<hbm>>
    %dma_wait3A_419 = arith.constant 8736 : i32
    %dma_wait3A_420 = tpu.memref_slice %arg7[%dma_wait3A_419] : memref<10752xi32, #tpu.memory_space<vmem>> -> memref<336xi32, #tpu.memory_space<vmem>>
    %dma_wait3A_421 = tpu.memref_slice %arg3[%add3A_212] : memref<320000xi32, #tpu.memory_space<hbm>> -> memref<336xi32, #tpu.memory_space<hbm>>
    tpu.wait_dma2 semaphore(%arg9 : memref<!tpu.dma_semaphore, #tpu.memory_space<semaphore_mem>>) src(%dma_wait3A_421 : memref<336xi32, #tpu.memory_space<hbm>>) dst(%dma_wait3A_420 : memref<336xi32, #tpu.memory_space<vmem>>)
    %dma_wait3A_422 = arith.constant 9072 : i32
    %dma_wait3A_423 = tpu.memref_slice %arg7[%dma_wait3A_422] : memref<10752xi32, #tpu.memory_space<vmem>> -> memref<336xi32, #tpu.memory_space<vmem>>
    %dma_wait3A_424 = tpu.memref_slice %arg3[%add3A_220] : memref<320000xi32, #tpu.memory_space<hbm>> -> memref<336xi32, #tpu.memory_space<hbm>>
    %dma_wait3A_425 = arith.constant 9072 : i32
    %dma_wait3A_426 = tpu.memref_slice %arg7[%dma_wait3A_425] : memref<10752xi32, #tpu.memory_space<vmem>> -> memref<336xi32, #tpu.memory_space<vmem>>
    %dma_wait3A_427 = tpu.memref_slice %arg3[%add3A_220] : memref<320000xi32, #tpu.memory_space<hbm>> -> memref<336xi32, #tpu.memory_space<hbm>>
    tpu.wait_dma2 semaphore(%arg9 : memref<!tpu.dma_semaphore, #tpu.memory_space<semaphore_mem>>) src(%dma_wait3A_427 : memref<336xi32, #tpu.memory_space<hbm>>) dst(%dma_wait3A_426 : memref<336xi32, #tpu.memory_space<vmem>>)
    %dma_wait3A_428 = arith.constant 9408 : i32
    %dma_wait3A_429 = tpu.memref_slice %arg7[%dma_wait3A_428] : memref<10752xi32, #tpu.memory_space<vmem>> -> memref<336xi32, #tpu.memory_space<vmem>>
    %dma_wait3A_430 = tpu.memref_slice %arg3[%add3A_228] : memref<320000xi32, #tpu.memory_space<hbm>> -> memref<336xi32, #tpu.memory_space<hbm>>
    %dma_wait3A_431 = arith.constant 9408 : i32
    %dma_wait3A_432 = tpu.memref_slice %arg7[%dma_wait3A_431] : memref<10752xi32, #tpu.memory_space<vmem>> -> memref<336xi32, #tpu.memory_space<vmem>>
    %dma_wait3A_433 = tpu.memref_slice %arg3[%add3A_228] : memref<320000xi32, #tpu.memory_space<hbm>> -> memref<336xi32, #tpu.memory_space<hbm>>
    tpu.wait_dma2 semaphore(%arg9 : memref<!tpu.dma_semaphore, #tpu.memory_space<semaphore_mem>>) src(%dma_wait3A_433 : memref<336xi32, #tpu.memory_space<hbm>>) dst(%dma_wait3A_432 : memref<336xi32, #tpu.memory_space<vmem>>)
    %dma_wait3A_434 = arith.constant 9744 : i32
    %dma_wait3A_435 = tpu.memref_slice %arg7[%dma_wait3A_434] : memref<10752xi32, #tpu.memory_space<vmem>> -> memref<336xi32, #tpu.memory_space<vmem>>
    %dma_wait3A_436 = tpu.memref_slice %arg3[%add3A_236] : memref<320000xi32, #tpu.memory_space<hbm>> -> memref<336xi32, #tpu.memory_space<hbm>>
    %dma_wait3A_437 = arith.constant 9744 : i32
    %dma_wait3A_438 = tpu.memref_slice %arg7[%dma_wait3A_437] : memref<10752xi32, #tpu.memory_space<vmem>> -> memref<336xi32, #tpu.memory_space<vmem>>
    %dma_wait3A_439 = tpu.memref_slice %arg3[%add3A_236] : memref<320000xi32, #tpu.memory_space<hbm>> -> memref<336xi32, #tpu.memory_space<hbm>>
    tpu.wait_dma2 semaphore(%arg9 : memref<!tpu.dma_semaphore, #tpu.memory_space<semaphore_mem>>) src(%dma_wait3A_439 : memref<336xi32, #tpu.memory_space<hbm>>) dst(%dma_wait3A_438 : memref<336xi32, #tpu.memory_space<vmem>>)
    %dma_wait3A_440 = arith.constant 10080 : i32
    %dma_wait3A_441 = tpu.memref_slice %arg7[%dma_wait3A_440] : memref<10752xi32, #tpu.memory_space<vmem>> -> memref<336xi32, #tpu.memory_space<vmem>>
    %dma_wait3A_442 = tpu.memref_slice %arg3[%add3A_244] : memref<320000xi32, #tpu.memory_space<hbm>> -> memref<336xi32, #tpu.memory_space<hbm>>
    %dma_wait3A_443 = arith.constant 10080 : i32
    %dma_wait3A_444 = tpu.memref_slice %arg7[%dma_wait3A_443] : memref<10752xi32, #tpu.memory_space<vmem>> -> memref<336xi32, #tpu.memory_space<vmem>>
    %dma_wait3A_445 = tpu.memref_slice %arg3[%add3A_244] : memref<320000xi32, #tpu.memory_space<hbm>> -> memref<336xi32, #tpu.memory_space<hbm>>
    tpu.wait_dma2 semaphore(%arg9 : memref<!tpu.dma_semaphore, #tpu.memory_space<semaphore_mem>>) src(%dma_wait3A_445 : memref<336xi32, #tpu.memory_space<hbm>>) dst(%dma_wait3A_444 : memref<336xi32, #tpu.memory_space<vmem>>)
    %dma_wait3A_446 = arith.constant 10416 : i32
    %dma_wait3A_447 = tpu.memref_slice %arg7[%dma_wait3A_446] : memref<10752xi32, #tpu.memory_space<vmem>> -> memref<336xi32, #tpu.memory_space<vmem>>
    %dma_wait3A_448 = tpu.memref_slice %arg3[%add3A_252] : memref<320000xi32, #tpu.memory_space<hbm>> -> memref<336xi32, #tpu.memory_space<hbm>>
    %dma_wait3A_449 = arith.constant 10416 : i32
    %dma_wait3A_450 = tpu.memref_slice %arg7[%dma_wait3A_449] : memref<10752xi32, #tpu.memory_space<vmem>> -> memref<336xi32, #tpu.memory_space<vmem>>
    %dma_wait3A_451 = tpu.memref_slice %arg3[%add3A_252] : memref<320000xi32, #tpu.memory_space<hbm>> -> memref<336xi32, #tpu.memory_space<hbm>>
    tpu.wait_dma2 semaphore(%arg9 : memref<!tpu.dma_semaphore, #tpu.memory_space<semaphore_mem>>) src(%dma_wait3A_451 : memref<336xi32, #tpu.memory_space<hbm>>) dst(%dma_wait3A_450 : memref<336xi32, #tpu.memory_space<vmem>>)
    tpu.wait_dma2 semaphore(%arg9 : memref<!tpu.dma_semaphore, #tpu.memory_space<semaphore_mem>>) src(%arg5 : memref<50000xf32, #tpu.memory_space<vmem_shared>>) dst(%arg6 : memref<50000xf32, #tpu.memory_space<vmem>>)
    %iota3A = tpu.iota {dimensions = array<i32: 0>} : vector<16xi32>
    %scan3A = arith.constant 0.0322580636 : f32
    %scan3A_452 = arith.constant 0 : i32
    %scan3A_453 = arith.constant 0 : i32
    %scan3A_454 = arith.constant 21 : i32
    %scan3A_455 = arith.addi %scan3A_453, %scan3A_454 : i32
    %scan3A_456 = arith.constant 1 : i32
    %scan3A_457 = scf.for %scan3A_683 = %scan3A_453 to %scan3A_455 step %scan3A_456 iter_args(%scan3A_684 = %scan3A_452) -> (i32)  : i32 {
      %mul3A_685 = arith.constant 16 : i32
      %mul3A_686 = arith.muli %scan3A_683, %mul3A_685 : i32
      %add3A_687 = arith.addi %min3A_3, %mul3A_686 : i32
      %add3A_688 = vector.broadcast %add3A_687 : i32 to vector<16xi32>
      %add3A_689 = arith.addi %add3A_688, %iota3A : vector<16xi32>
      %mul3A_690 = arith.constant 5 : i32
      %mul3A_691 = vector.broadcast %mul3A_690 : i32 to vector<16xi32>
      %mul3A_692 = arith.muli %add3A_689, %mul3A_691 : vector<16xi32>
      %add3A_693 = arith.constant 0 : i32
      %add3A_694 = vector.broadcast %add3A_693 : i32 to vector<16xi32>
      %add3A_695 = arith.addi %mul3A_692, %add3A_694 : vector<16xi32>
      %gather3A = tpu.vector_load_idx %arg6[%add3A_695] : memref<50000xf32, #tpu.memory_space<vmem>>[vector<16xi32>], vector<16xf32>,
      %add3A_696 = arith.constant 1 : i32
      %add3A_697 = vector.broadcast %add3A_696 : i32 to vector<16xi32>
      %add3A_698 = arith.addi %mul3A_692, %add3A_697 : vector<16xi32>
      %gather3A_699 = tpu.vector_load_idx %arg6[%add3A_698] : memref<50000xf32, #tpu.memory_space<vmem>>[vector<16xi32>], vector<16xf32>,
      %add3A_700 = arith.constant 2 : i32
      %add3A_701 = vector.broadcast %add3A_700 : i32 to vector<16xi32>
      %add3A_702 = arith.addi %mul3A_692, %add3A_701 : vector<16xi32>
      %gather3A_703 = tpu.vector_load_idx %arg6[%add3A_702] : memref<50000xf32, #tpu.memory_space<vmem>>[vector<16xi32>], vector<16xf32>,
      %add3A_704 = arith.constant 3 : i32
      %add3A_705 = vector.broadcast %add3A_704 : i32 to vector<16xi32>
      %add3A_706 = arith.addi %mul3A_692, %add3A_705 : vector<16xi32>
      %gather3A_707 = tpu.vector_load_idx %arg6[%add3A_706] : memref<50000xf32, #tpu.memory_space<vmem>>[vector<16xi32>], vector<16xf32>,
      %broadcast_in_dim3A = arith.constant 0.000000e+00 : f32
      %broadcast_in_dim3A_708 = vector.broadcast %broadcast_in_dim3A : f32 to vector<16xf32>
      %parallel_loop3A = arith.constant 0 : i32
      %parallel_loop3A_709 = arith.constant 32 : i32
      %parallel_loop3A_710 = arith.constant 1 : i32
      %parallel_loop3A_711:10 = scf.for %parallel_loop3A_828 = %parallel_loop3A to %parallel_loop3A_709 step %parallel_loop3A_710 iter_args(%parallel_loop3A_829 = %broadcast_in_dim3A_708, %parallel_loop3A_830 = %broadcast_in_dim3A_708, %parallel_loop3A_831 = %broadcast_in_dim3A_708, %parallel_loop3A_832 = %broadcast_in_dim3A_708, %parallel_loop3A_833 = %broadcast_in_dim3A_708, %parallel_loop3A_834 = %broadcast_in_dim3A_708, %parallel_loop3A_835 = %broadcast_in_dim3A_708, %parallel_loop3A_836 = %broadcast_in_dim3A_708, %parallel_loop3A_837 = %broadcast_in_dim3A_708, %parallel_loop3A_838 = %broadcast_in_dim3A_708) -> (vector<16xf32>, vector<16xf32>, vector<16xf32>, vector<16xf32>, vector<16xf32>, vector<16xf32>, vector<16xf32>, vector<16xf32>, vector<16xf32>, vector<16xf32>)  : i32 {
        %parallel_loop3A_839 = arith.constant 336 : i32
        %parallel_loop3A_840 = arith.muli %parallel_loop3A_828, %parallel_loop3A_839 : i32
        %parallel_loop3A_841 = arith.constant 16 : i32
        %parallel_loop3A_842 = arith.muli %scan3A_683, %parallel_loop3A_841 : i32
        %parallel_loop3A_843 = arith.addi %parallel_loop3A_840, %parallel_loop3A_842 : i32
        %parallel_loop3A_844 = arith.index_cast %parallel_loop3A_843 : i32 to index
        %parallel_loop3A_845 = tpu.vector_load %arg7[%parallel_loop3A_844] {strides = array<i32>} : memref<10752xi32, #tpu.memory_space<vmem>>, vector<16xi32>,
        %parallel_loop3A_846 = arith.constant 5 : i32
        %parallel_loop3A_847 = vector.broadcast %parallel_loop3A_846 : i32 to vector<16xi32>
        %parallel_loop3A_848 = arith.muli %parallel_loop3A_845, %parallel_loop3A_847 : vector<16xi32>
        %parallel_loop3A_849 = arith.constant 0 : i32
        %parallel_loop3A_850 = vector.broadcast %parallel_loop3A_849 : i32 to vector<16xi32>
        %parallel_loop3A_851 = arith.addi %parallel_loop3A_848, %parallel_loop3A_850 : vector<16xi32>
        %parallel_loop3A_852 = tpu.vector_load_idx %arg6[%parallel_loop3A_851] : memref<50000xf32, #tpu.memory_space<vmem>>[vector<16xi32>], vector<16xf32>,
        %parallel_loop3A_853 = arith.subf %parallel_loop3A_852, %gather3A : vector<16xf32>
        %parallel_loop3A_854 = arith.constant 1 : i32
        %parallel_loop3A_855 = vector.broadcast %parallel_loop3A_854 : i32 to vector<16xi32>
        %parallel_loop3A_856 = arith.addi %parallel_loop3A_848, %parallel_loop3A_855 : vector<16xi32>
        %parallel_loop3A_857 = tpu.vector_load_idx %arg6[%parallel_loop3A_856] : memref<50000xf32, #tpu.memory_space<vmem>>[vector<16xi32>], vector<16xf32>,
        %parallel_loop3A_858 = arith.subf %parallel_loop3A_857, %gather3A_699 : vector<16xf32>
        %parallel_loop3A_859 = arith.constant 2 : i32
        %parallel_loop3A_860 = vector.broadcast %parallel_loop3A_859 : i32 to vector<16xi32>
        %parallel_loop3A_861 = arith.addi %parallel_loop3A_848, %parallel_loop3A_860 : vector<16xi32>
        %parallel_loop3A_862 = tpu.vector_load_idx %arg6[%parallel_loop3A_861] : memref<50000xf32, #tpu.memory_space<vmem>>[vector<16xi32>], vector<16xf32>,
        %parallel_loop3A_863 = arith.subf %parallel_loop3A_862, %gather3A_703 : vector<16xf32>
        %parallel_loop3A_864 = arith.constant 3 : i32
        %parallel_loop3A_865 = vector.broadcast %parallel_loop3A_864 : i32 to vector<16xi32>
        %parallel_loop3A_866 = arith.addi %parallel_loop3A_848, %parallel_loop3A_865 : vector<16xi32>
        %parallel_loop3A_867 = tpu.vector_load_idx %arg6[%parallel_loop3A_866] : memref<50000xf32, #tpu.memory_space<vmem>>[vector<16xi32>], vector<16xf32>,
        %parallel_loop3A_868 = arith.subf %parallel_loop3A_867, %gather3A_707 : vector<16xf32>
        %parallel_loop3A_869 = arith.mulf %parallel_loop3A_853, %parallel_loop3A_853 : vector<16xf32>
        %parallel_loop3A_870 = arith.addf %parallel_loop3A_829, %parallel_loop3A_869 : vector<16xf32>
        %parallel_loop3A_871 = arith.mulf %parallel_loop3A_853, %parallel_loop3A_858 : vector<16xf32>
        %parallel_loop3A_872 = arith.addf %parallel_loop3A_830, %parallel_loop3A_871 : vector<16xf32>
        %parallel_loop3A_873 = arith.mulf %parallel_loop3A_853, %parallel_loop3A_863 : vector<16xf32>
        %parallel_loop3A_874 = arith.addf %parallel_loop3A_831, %parallel_loop3A_873 : vector<16xf32>
        %parallel_loop3A_875 = arith.mulf %parallel_loop3A_853, %parallel_loop3A_868 : vector<16xf32>
        %parallel_loop3A_876 = arith.addf %parallel_loop3A_832, %parallel_loop3A_875 : vector<16xf32>
        %parallel_loop3A_877 = arith.mulf %parallel_loop3A_858, %parallel_loop3A_858 : vector<16xf32>
        %parallel_loop3A_878 = arith.addf %parallel_loop3A_833, %parallel_loop3A_877 : vector<16xf32>
        %parallel_loop3A_879 = arith.mulf %parallel_loop3A_858, %parallel_loop3A_863 : vector<16xf32>
        %parallel_loop3A_880 = arith.addf %parallel_loop3A_834, %parallel_loop3A_879 : vector<16xf32>
        %parallel_loop3A_881 = arith.mulf %parallel_loop3A_858, %parallel_loop3A_868 : vector<16xf32>
        %parallel_loop3A_882 = arith.addf %parallel_loop3A_835, %parallel_loop3A_881 : vector<16xf32>
        %parallel_loop3A_883 = arith.mulf %parallel_loop3A_863, %parallel_loop3A_863 : vector<16xf32>
        %parallel_loop3A_884 = arith.addf %parallel_loop3A_836, %parallel_loop3A_883 : vector<16xf32>
        %parallel_loop3A_885 = arith.mulf %parallel_loop3A_863, %parallel_loop3A_868 : vector<16xf32>
        %parallel_loop3A_886 = arith.addf %parallel_loop3A_837, %parallel_loop3A_885 : vector<16xf32>
        %parallel_loop3A_887 = arith.mulf %parallel_loop3A_868, %parallel_loop3A_868 : vector<16xf32>
        %parallel_loop3A_888 = arith.addf %parallel_loop3A_838, %parallel_loop3A_887 : vector<16xf32>
        scf.yield %parallel_loop3A_870, %parallel_loop3A_872, %parallel_loop3A_874, %parallel_loop3A_876, %parallel_loop3A_878, %parallel_loop3A_880, %parallel_loop3A_882, %parallel_loop3A_884, %parallel_loop3A_886, %parallel_loop3A_888 : vector<16xf32>, vector<16xf32>, vector<16xf32>, vector<16xf32>, vector<16xf32>, vector<16xf32>, vector<16xf32>, vector<16xf32>, vector<16xf32>, vector<16xf32>
      } {sc.loop_unroll_factor = 4 : i64, sc.parallel_access}
      %mul3A_712 = vector.broadcast %scan3A : f32 to vector<16xf32>
      %mul3A_713 = arith.mulf %parallel_loop3A_711#0, %mul3A_712 : vector<16xf32>
      %mul3A_714 = arith.constant 16 : i32
      %mul3A_715 = arith.muli %scan3A_683, %mul3A_714 : i32
      %add3A_716 = arith.constant 0 : i32
      %add3A_717 = arith.addi %add3A_716, %mul3A_715 : i32
      %swap3A = arith.index_cast %add3A_717 : i32 to index
      %swap3A_718 = tpu.vector_load %arg8[%swap3A] {strides = array<i32>} : memref<5376xf32, #tpu.memory_space<vmem>>, vector<16xf32>,
      tpu.vector_store %arg8[%swap3A], %mul3A_713 {strides = array<i32>} : memref<5376xf32, #tpu.memory_space<vmem>>, vector<16xf32>,
      %mul3A_719 = vector.broadcast %scan3A : f32 to vector<16xf32>
      %mul3A_720 = arith.mulf %parallel_loop3A_711#1, %mul3A_719 : vector<16xf32>
      %mul3A_721 = arith.constant 16 : i32
      %mul3A_722 = arith.muli %scan3A_683, %mul3A_721 : i32
      %add3A_723 = arith.constant 336 : i32
      %add3A_724 = arith.addi %add3A_723, %mul3A_722 : i32
      %swap3A_725 = arith.index_cast %add3A_724 : i32 to index
      %swap3A_726 = tpu.vector_load %arg8[%swap3A_725] {strides = array<i32>} : memref<5376xf32, #tpu.memory_space<vmem>>, vector<16xf32>,
      tpu.vector_store %arg8[%swap3A_725], %mul3A_720 {strides = array<i32>} : memref<5376xf32, #tpu.memory_space<vmem>>, vector<16xf32>,
      %mul3A_727 = arith.constant 16 : i32
      %mul3A_728 = arith.muli %scan3A_683, %mul3A_727 : i32
      %add3A_729 = arith.constant 1344 : i32
      %add3A_730 = arith.addi %add3A_729, %mul3A_728 : i32
      %swap3A_731 = arith.index_cast %add3A_730 : i32 to index
      %swap3A_732 = tpu.vector_load %arg8[%swap3A_731] {strides = array<i32>} : memref<5376xf32, #tpu.memory_space<vmem>>, vector<16xf32>,
      tpu.vector_store %arg8[%swap3A_731], %mul3A_720 {strides = array<i32>} : memref<5376xf32, #tpu.memory_space<vmem>>, vector<16xf32>,
      %mul3A_733 = vector.broadcast %scan3A : f32 to vector<16xf32>
      %mul3A_734 = arith.mulf %parallel_loop3A_711#2, %mul3A_733 : vector<16xf32>
      %mul3A_735 = arith.constant 16 : i32
      %mul3A_736 = arith.muli %scan3A_683, %mul3A_735 : i32
      %add3A_737 = arith.constant 672 : i32
      %add3A_738 = arith.addi %add3A_737, %mul3A_736 : i32
      %swap3A_739 = arith.index_cast %add3A_738 : i32 to index
      %swap3A_740 = tpu.vector_load %arg8[%swap3A_739] {strides = array<i32>} : memref<5376xf32, #tpu.memory_space<vmem>>, vector<16xf32>,
      tpu.vector_store %arg8[%swap3A_739], %mul3A_734 {strides = array<i32>} : memref<5376xf32, #tpu.memory_space<vmem>>, vector<16xf32>,
      %mul3A_741 = arith.constant 16 : i32
      %mul3A_742 = arith.muli %scan3A_683, %mul3A_741 : i32
      %add3A_743 = arith.constant 2688 : i32
      %add3A_744 = arith.addi %add3A_743, %mul3A_742 : i32
      %swap3A_745 = arith.index_cast %add3A_744 : i32 to index
      %swap3A_746 = tpu.vector_load %arg8[%swap3A_745] {strides = array<i32>} : memref<5376xf32, #tpu.memory_space<vmem>>, vector<16xf32>,
      tpu.vector_store %arg8[%swap3A_745], %mul3A_734 {strides = array<i32>} : memref<5376xf32, #tpu.memory_space<vmem>>, vector<16xf32>,
      %mul3A_747 = vector.broadcast %scan3A : f32 to vector<16xf32>
      %mul3A_748 = arith.mulf %parallel_loop3A_711#3, %mul3A_747 : vector<16xf32>
      %mul3A_749 = arith.constant 16 : i32
      %mul3A_750 = arith.muli %scan3A_683, %mul3A_749 : i32
      %add3A_751 = arith.constant 1008 : i32
      %add3A_752 = arith.addi %add3A_751, %mul3A_750 : i32
      %swap3A_753 = arith.index_cast %add3A_752 : i32 to index
      %swap3A_754 = tpu.vector_load %arg8[%swap3A_753] {strides = array<i32>} : memref<5376xf32, #tpu.memory_space<vmem>>, vector<16xf32>,
      tpu.vector_store %arg8[%swap3A_753], %mul3A_748 {strides = array<i32>} : memref<5376xf32, #tpu.memory_space<vmem>>, vector<16xf32>,
      %mul3A_755 = arith.constant 16 : i32
      %mul3A_756 = arith.muli %scan3A_683, %mul3A_755 : i32
      %add3A_757 = arith.constant 4032 : i32
      %add3A_758 = arith.addi %add3A_757, %mul3A_756 : i32
      %swap3A_759 = arith.index_cast %add3A_758 : i32 to index
      %swap3A_760 = tpu.vector_load %arg8[%swap3A_759] {strides = array<i32>} : memref<5376xf32, #tpu.memory_space<vmem>>, vector<16xf32>,
      tpu.vector_store %arg8[%swap3A_759], %mul3A_748 {strides = array<i32>} : memref<5376xf32, #tpu.memory_space<vmem>>, vector<16xf32>,
      %mul3A_761 = vector.broadcast %scan3A : f32 to vector<16xf32>
      %mul3A_762 = arith.mulf %parallel_loop3A_711#4, %mul3A_761 : vector<16xf32>
      %mul3A_763 = arith.constant 16 : i32
      %mul3A_764 = arith.muli %scan3A_683, %mul3A_763 : i32
      %add3A_765 = arith.constant 1680 : i32
      %add3A_766 = arith.addi %add3A_765, %mul3A_764 : i32
      %swap3A_767 = arith.index_cast %add3A_766 : i32 to index
      %swap3A_768 = tpu.vector_load %arg8[%swap3A_767] {strides = array<i32>} : memref<5376xf32, #tpu.memory_space<vmem>>, vector<16xf32>,
      tpu.vector_store %arg8[%swap3A_767], %mul3A_762 {strides = array<i32>} : memref<5376xf32, #tpu.memory_space<vmem>>, vector<16xf32>,
      %mul3A_769 = vector.broadcast %scan3A : f32 to vector<16xf32>
      %mul3A_770 = arith.mulf %parallel_loop3A_711#5, %mul3A_769 : vector<16xf32>
      %mul3A_771 = arith.constant 16 : i32
      %mul3A_772 = arith.muli %scan3A_683, %mul3A_771 : i32
      %add3A_773 = arith.constant 2016 : i32
      %add3A_774 = arith.addi %add3A_773, %mul3A_772 : i32
      %swap3A_775 = arith.index_cast %add3A_774 : i32 to index
      %swap3A_776 = tpu.vector_load %arg8[%swap3A_775] {strides = array<i32>} : memref<5376xf32, #tpu.memory_space<vmem>>, vector<16xf32>,
      tpu.vector_store %arg8[%swap3A_775], %mul3A_770 {strides = array<i32>} : memref<5376xf32, #tpu.memory_space<vmem>>, vector<16xf32>,
      %mul3A_777 = arith.constant 16 : i32
      %mul3A_778 = arith.muli %scan3A_683, %mul3A_777 : i32
      %add3A_779 = arith.constant 3024 : i32
      %add3A_780 = arith.addi %add3A_779, %mul3A_778 : i32
      %swap3A_781 = arith.index_cast %add3A_780 : i32 to index
      %swap3A_782 = tpu.vector_load %arg8[%swap3A_781] {strides = array<i32>} : memref<5376xf32, #tpu.memory_space<vmem>>, vector<16xf32>,
      tpu.vector_store %arg8[%swap3A_781], %mul3A_770 {strides = array<i32>} : memref<5376xf32, #tpu.memory_space<vmem>>, vector<16xf32>,
      %mul3A_783 = vector.broadcast %scan3A : f32 to vector<16xf32>
      %mul3A_784 = arith.mulf %parallel_loop3A_711#6, %mul3A_783 : vector<16xf32>
      %mul3A_785 = arith.constant 16 : i32
      %mul3A_786 = arith.muli %scan3A_683, %mul3A_785 : i32
      %add3A_787 = arith.constant 2352 : i32
      %add3A_788 = arith.addi %add3A_787, %mul3A_786 : i32
      %swap3A_789 = arith.index_cast %add3A_788 : i32 to index
      %swap3A_790 = tpu.vector_load %arg8[%swap3A_789] {strides = array<i32>} : memref<5376xf32, #tpu.memory_space<vmem>>, vector<16xf32>,
      tpu.vector_store %arg8[%swap3A_789], %mul3A_784 {strides = array<i32>} : memref<5376xf32, #tpu.memory_space<vmem>>, vector<16xf32>,
      %mul3A_791 = arith.constant 16 : i32
      %mul3A_792 = arith.muli %scan3A_683, %mul3A_791 : i32
      %add3A_793 = arith.constant 4368 : i32
      %add3A_794 = arith.addi %add3A_793, %mul3A_792 : i32
      %swap3A_795 = arith.index_cast %add3A_794 : i32 to index
      %swap3A_796 = tpu.vector_load %arg8[%swap3A_795] {strides = array<i32>} : memref<5376xf32, #tpu.memory_space<vmem>>, vector<16xf32>,
      tpu.vector_store %arg8[%swap3A_795], %mul3A_784 {strides = array<i32>} : memref<5376xf32, #tpu.memory_space<vmem>>, vector<16xf32>,
      %mul3A_797 = vector.broadcast %scan3A : f32 to vector<16xf32>
      %mul3A_798 = arith.mulf %parallel_loop3A_711#7, %mul3A_797 : vector<16xf32>
      %mul3A_799 = arith.constant 16 : i32
      %mul3A_800 = arith.muli %scan3A_683, %mul3A_799 : i32
      %add3A_801 = arith.constant 3360 : i32
      %add3A_802 = arith.addi %add3A_801, %mul3A_800 : i32
      %swap3A_803 = arith.index_cast %add3A_802 : i32 to index
      %swap3A_804 = tpu.vector_load %arg8[%swap3A_803] {strides = array<i32>} : memref<5376xf32, #tpu.memory_space<vmem>>, vector<16xf32>,
      tpu.vector_store %arg8[%swap3A_803], %mul3A_798 {strides = array<i32>} : memref<5376xf32, #tpu.memory_space<vmem>>, vector<16xf32>,
      %mul3A_805 = vector.broadcast %scan3A : f32 to vector<16xf32>
      %mul3A_806 = arith.mulf %parallel_loop3A_711#8, %mul3A_805 : vector<16xf32>
      %mul3A_807 = arith.constant 16 : i32
      %mul3A_808 = arith.muli %scan3A_683, %mul3A_807 : i32
      %add3A_809 = arith.constant 3696 : i32
      %add3A_810 = arith.addi %add3A_809, %mul3A_808 : i32
      %swap3A_811 = arith.index_cast %add3A_810 : i32 to index
      %swap3A_812 = tpu.vector_load %arg8[%swap3A_811] {strides = array<i32>} : memref<5376xf32, #tpu.memory_space<vmem>>, vector<16xf32>,
      tpu.vector_store %arg8[%swap3A_811], %mul3A_806 {strides = array<i32>} : memref<5376xf32, #tpu.memory_space<vmem>>, vector<16xf32>,
      %mul3A_813 = arith.constant 16 : i32
      %mul3A_814 = arith.muli %scan3A_683, %mul3A_813 : i32
      %add3A_815 = arith.constant 4704 : i32
      %add3A_816 = arith.addi %add3A_815, %mul3A_814 : i32
      %swap3A_817 = arith.index_cast %add3A_816 : i32 to index
      %swap3A_818 = tpu.vector_load %arg8[%swap3A_817] {strides = array<i32>} : memref<5376xf32, #tpu.memory_space<vmem>>, vector<16xf32>,
      tpu.vector_store %arg8[%swap3A_817], %mul3A_806 {strides = array<i32>} : memref<5376xf32, #tpu.memory_space<vmem>>, vector<16xf32>,
      %mul3A_819 = vector.broadcast %scan3A : f32 to vector<16xf32>
      %mul3A_820 = arith.mulf %parallel_loop3A_711#9, %mul3A_819 : vector<16xf32>
      %mul3A_821 = arith.constant 16 : i32
      %mul3A_822 = arith.muli %scan3A_683, %mul3A_821 : i32
      %add3A_823 = arith.constant 5040 : i32
      %add3A_824 = arith.addi %add3A_823, %mul3A_822 : i32
      %swap3A_825 = arith.index_cast %add3A_824 : i32 to index
      %swap3A_826 = tpu.vector_load %arg8[%swap3A_825] {strides = array<i32>} : memref<5376xf32, #tpu.memory_space<vmem>>, vector<16xf32>,
      tpu.vector_store %arg8[%swap3A_825], %mul3A_820 {strides = array<i32>} : memref<5376xf32, #tpu.memory_space<vmem>>, vector<16xf32>,
      %scan3A_827 = arith.constant 0 : i32
      scf.yield %scan3A_827 : i32
    }
    %scan3A_458 = arith.constant 21 : i32
    %add3A_459 = arith.constant 0 : i32
    %add3A_460 = arith.addi %add3A_459, %min3A_3 : i32
    %dma_start3A_461 = arith.constant 0 : i32
    %dma_start3A_462 = tpu.memref_slice %arg8[%dma_start3A_461] : memref<5376xf32, #tpu.memory_space<vmem>> -> memref<336xf32, #tpu.memory_space<vmem>>
    %dma_start3A_463 = tpu.memref_slice %arg4[%add3A_460] : memref<160000xf32, #tpu.memory_space<hbm>> -> memref<336xf32, #tpu.memory_space<hbm>>
    %dma_start3A_464 = tpu.memref_slice %arg4[%add3A_460] : memref<160000xf32, #tpu.memory_space<hbm>> -> memref<336xf32, #tpu.memory_space<hbm>>
    %dma_start3A_465 = arith.constant 0 : i32
    %dma_start3A_466 = tpu.memref_slice %arg8[%dma_start3A_465] : memref<5376xf32, #tpu.memory_space<vmem>> -> memref<336xf32, #tpu.memory_space<vmem>>
    tpu.enqueue_dma source(%dma_start3A_466 : memref<336xf32, #tpu.memory_space<vmem>>) target(%dma_start3A_464 : memref<336xf32, #tpu.memory_space<hbm>>) target_semaphore(%arg9 : memref<!tpu.dma_semaphore, #tpu.memory_space<semaphore_mem>>)
    %add3A_467 = arith.constant 10000 : i32
    %add3A_468 = arith.addi %add3A_467, %min3A_3 : i32
    %dma_start3A_469 = arith.constant 336 : i32
    %dma_start3A_470 = tpu.memref_slice %arg8[%dma_start3A_469] : memref<5376xf32, #tpu.memory_space<vmem>> -> memref<336xf32, #tpu.memory_space<vmem>>
    %dma_start3A_471 = tpu.memref_slice %arg4[%add3A_468] : memref<160000xf32, #tpu.memory_space<hbm>> -> memref<336xf32, #tpu.memory_space<hbm>>
    %dma_start3A_472 = tpu.memref_slice %arg4[%add3A_468] : memref<160000xf32, #tpu.memory_space<hbm>> -> memref<336xf32, #tpu.memory_space<hbm>>
    %dma_start3A_473 = arith.constant 336 : i32
    %dma_start3A_474 = tpu.memref_slice %arg8[%dma_start3A_473] : memref<5376xf32, #tpu.memory_space<vmem>> -> memref<336xf32, #tpu.memory_space<vmem>>
    tpu.enqueue_dma source(%dma_start3A_474 : memref<336xf32, #tpu.memory_space<vmem>>) target(%dma_start3A_472 : memref<336xf32, #tpu.memory_space<hbm>>) target_semaphore(%arg9 : memref<!tpu.dma_semaphore, #tpu.memory_space<semaphore_mem>>)
    %add3A_475 = arith.constant 20000 : i32
    %add3A_476 = arith.addi %add3A_475, %min3A_3 : i32
    %dma_start3A_477 = arith.constant 672 : i32
    %dma_start3A_478 = tpu.memref_slice %arg8[%dma_start3A_477] : memref<5376xf32, #tpu.memory_space<vmem>> -> memref<336xf32, #tpu.memory_space<vmem>>
    %dma_start3A_479 = tpu.memref_slice %arg4[%add3A_476] : memref<160000xf32, #tpu.memory_space<hbm>> -> memref<336xf32, #tpu.memory_space<hbm>>
    %dma_start3A_480 = tpu.memref_slice %arg4[%add3A_476] : memref<160000xf32, #tpu.memory_space<hbm>> -> memref<336xf32, #tpu.memory_space<hbm>>
    %dma_start3A_481 = arith.constant 672 : i32
    %dma_start3A_482 = tpu.memref_slice %arg8[%dma_start3A_481] : memref<5376xf32, #tpu.memory_space<vmem>> -> memref<336xf32, #tpu.memory_space<vmem>>
    tpu.enqueue_dma source(%dma_start3A_482 : memref<336xf32, #tpu.memory_space<vmem>>) target(%dma_start3A_480 : memref<336xf32, #tpu.memory_space<hbm>>) target_semaphore(%arg9 : memref<!tpu.dma_semaphore, #tpu.memory_space<semaphore_mem>>)
    %add3A_483 = arith.constant 30000 : i32
    %add3A_484 = arith.addi %add3A_483, %min3A_3 : i32
    %dma_start3A_485 = arith.constant 1008 : i32
    %dma_start3A_486 = tpu.memref_slice %arg8[%dma_start3A_485] : memref<5376xf32, #tpu.memory_space<vmem>> -> memref<336xf32, #tpu.memory_space<vmem>>
    %dma_start3A_487 = tpu.memref_slice %arg4[%add3A_484] : memref<160000xf32, #tpu.memory_space<hbm>> -> memref<336xf32, #tpu.memory_space<hbm>>
    %dma_start3A_488 = tpu.memref_slice %arg4[%add3A_484] : memref<160000xf32, #tpu.memory_space<hbm>> -> memref<336xf32, #tpu.memory_space<hbm>>
    %dma_start3A_489 = arith.constant 1008 : i32
    %dma_start3A_490 = tpu.memref_slice %arg8[%dma_start3A_489] : memref<5376xf32, #tpu.memory_space<vmem>> -> memref<336xf32, #tpu.memory_space<vmem>>
    tpu.enqueue_dma source(%dma_start3A_490 : memref<336xf32, #tpu.memory_space<vmem>>) target(%dma_start3A_488 : memref<336xf32, #tpu.memory_space<hbm>>) target_semaphore(%arg9 : memref<!tpu.dma_semaphore, #tpu.memory_space<semaphore_mem>>)
    %add3A_491 = arith.constant 40000 : i32
    %add3A_492 = arith.addi %add3A_491, %min3A_3 : i32
    %dma_start3A_493 = arith.constant 1344 : i32
    %dma_start3A_494 = tpu.memref_slice %arg8[%dma_start3A_493] : memref<5376xf32, #tpu.memory_space<vmem>> -> memref<336xf32, #tpu.memory_space<vmem>>
    %dma_start3A_495 = tpu.memref_slice %arg4[%add3A_492] : memref<160000xf32, #tpu.memory_space<hbm>> -> memref<336xf32, #tpu.memory_space<hbm>>
    %dma_start3A_496 = tpu.memref_slice %arg4[%add3A_492] : memref<160000xf32, #tpu.memory_space<hbm>> -> memref<336xf32, #tpu.memory_space<hbm>>
    %dma_start3A_497 = arith.constant 1344 : i32
    %dma_start3A_498 = tpu.memref_slice %arg8[%dma_start3A_497] : memref<5376xf32, #tpu.memory_space<vmem>> -> memref<336xf32, #tpu.memory_space<vmem>>
    tpu.enqueue_dma source(%dma_start3A_498 : memref<336xf32, #tpu.memory_space<vmem>>) target(%dma_start3A_496 : memref<336xf32, #tpu.memory_space<hbm>>) target_semaphore(%arg9 : memref<!tpu.dma_semaphore, #tpu.memory_space<semaphore_mem>>)
    %add3A_499 = arith.constant 50000 : i32
    %add3A_500 = arith.addi %add3A_499, %min3A_3 : i32
    %dma_start3A_501 = arith.constant 1680 : i32
    %dma_start3A_502 = tpu.memref_slice %arg8[%dma_start3A_501] : memref<5376xf32, #tpu.memory_space<vmem>> -> memref<336xf32, #tpu.memory_space<vmem>>
    %dma_start3A_503 = tpu.memref_slice %arg4[%add3A_500] : memref<160000xf32, #tpu.memory_space<hbm>> -> memref<336xf32, #tpu.memory_space<hbm>>
    %dma_start3A_504 = tpu.memref_slice %arg4[%add3A_500] : memref<160000xf32, #tpu.memory_space<hbm>> -> memref<336xf32, #tpu.memory_space<hbm>>
    %dma_start3A_505 = arith.constant 1680 : i32
    %dma_start3A_506 = tpu.memref_slice %arg8[%dma_start3A_505] : memref<5376xf32, #tpu.memory_space<vmem>> -> memref<336xf32, #tpu.memory_space<vmem>>
    tpu.enqueue_dma source(%dma_start3A_506 : memref<336xf32, #tpu.memory_space<vmem>>) target(%dma_start3A_504 : memref<336xf32, #tpu.memory_space<hbm>>) target_semaphore(%arg9 : memref<!tpu.dma_semaphore, #tpu.memory_space<semaphore_mem>>)
    %add3A_507 = arith.constant 60000 : i32
    %add3A_508 = arith.addi %add3A_507, %min3A_3 : i32
    %dma_start3A_509 = arith.constant 2016 : i32
    %dma_start3A_510 = tpu.memref_slice %arg8[%dma_start3A_509] : memref<5376xf32, #tpu.memory_space<vmem>> -> memref<336xf32, #tpu.memory_space<vmem>>
    %dma_start3A_511 = tpu.memref_slice %arg4[%add3A_508] : memref<160000xf32, #tpu.memory_space<hbm>> -> memref<336xf32, #tpu.memory_space<hbm>>
    %dma_start3A_512 = tpu.memref_slice %arg4[%add3A_508] : memref<160000xf32, #tpu.memory_space<hbm>> -> memref<336xf32, #tpu.memory_space<hbm>>
    %dma_start3A_513 = arith.constant 2016 : i32
    %dma_start3A_514 = tpu.memref_slice %arg8[%dma_start3A_513] : memref<5376xf32, #tpu.memory_space<vmem>> -> memref<336xf32, #tpu.memory_space<vmem>>
    tpu.enqueue_dma source(%dma_start3A_514 : memref<336xf32, #tpu.memory_space<vmem>>) target(%dma_start3A_512 : memref<336xf32, #tpu.memory_space<hbm>>) target_semaphore(%arg9 : memref<!tpu.dma_semaphore, #tpu.memory_space<semaphore_mem>>)
    %add3A_515 = arith.constant 70000 : i32
    %add3A_516 = arith.addi %add3A_515, %min3A_3 : i32
    %dma_start3A_517 = arith.constant 2352 : i32
    %dma_start3A_518 = tpu.memref_slice %arg8[%dma_start3A_517] : memref<5376xf32, #tpu.memory_space<vmem>> -> memref<336xf32, #tpu.memory_space<vmem>>
    %dma_start3A_519 = tpu.memref_slice %arg4[%add3A_516] : memref<160000xf32, #tpu.memory_space<hbm>> -> memref<336xf32, #tpu.memory_space<hbm>>
    %dma_start3A_520 = tpu.memref_slice %arg4[%add3A_516] : memref<160000xf32, #tpu.memory_space<hbm>> -> memref<336xf32, #tpu.memory_space<hbm>>
    %dma_start3A_521 = arith.constant 2352 : i32
    %dma_start3A_522 = tpu.memref_slice %arg8[%dma_start3A_521] : memref<5376xf32, #tpu.memory_space<vmem>> -> memref<336xf32, #tpu.memory_space<vmem>>
    tpu.enqueue_dma source(%dma_start3A_522 : memref<336xf32, #tpu.memory_space<vmem>>) target(%dma_start3A_520 : memref<336xf32, #tpu.memory_space<hbm>>) target_semaphore(%arg9 : memref<!tpu.dma_semaphore, #tpu.memory_space<semaphore_mem>>)
    %add3A_523 = arith.constant 80000 : i32
    %add3A_524 = arith.addi %add3A_523, %min3A_3 : i32
    %dma_start3A_525 = arith.constant 2688 : i32
    %dma_start3A_526 = tpu.memref_slice %arg8[%dma_start3A_525] : memref<5376xf32, #tpu.memory_space<vmem>> -> memref<336xf32, #tpu.memory_space<vmem>>
    %dma_start3A_527 = tpu.memref_slice %arg4[%add3A_524] : memref<160000xf32, #tpu.memory_space<hbm>> -> memref<336xf32, #tpu.memory_space<hbm>>
    %dma_start3A_528 = tpu.memref_slice %arg4[%add3A_524] : memref<160000xf32, #tpu.memory_space<hbm>> -> memref<336xf32, #tpu.memory_space<hbm>>
    %dma_start3A_529 = arith.constant 2688 : i32
    %dma_start3A_530 = tpu.memref_slice %arg8[%dma_start3A_529] : memref<5376xf32, #tpu.memory_space<vmem>> -> memref<336xf32, #tpu.memory_space<vmem>>
    tpu.enqueue_dma source(%dma_start3A_530 : memref<336xf32, #tpu.memory_space<vmem>>) target(%dma_start3A_528 : memref<336xf32, #tpu.memory_space<hbm>>) target_semaphore(%arg9 : memref<!tpu.dma_semaphore, #tpu.memory_space<semaphore_mem>>)
    %add3A_531 = arith.constant 90000 : i32
    %add3A_532 = arith.addi %add3A_531, %min3A_3 : i32
    %dma_start3A_533 = arith.constant 3024 : i32
    %dma_start3A_534 = tpu.memref_slice %arg8[%dma_start3A_533] : memref<5376xf32, #tpu.memory_space<vmem>> -> memref<336xf32, #tpu.memory_space<vmem>>
    %dma_start3A_535 = tpu.memref_slice %arg4[%add3A_532] : memref<160000xf32, #tpu.memory_space<hbm>> -> memref<336xf32, #tpu.memory_space<hbm>>
    %dma_start3A_536 = tpu.memref_slice %arg4[%add3A_532] : memref<160000xf32, #tpu.memory_space<hbm>> -> memref<336xf32, #tpu.memory_space<hbm>>
    %dma_start3A_537 = arith.constant 3024 : i32
    %dma_start3A_538 = tpu.memref_slice %arg8[%dma_start3A_537] : memref<5376xf32, #tpu.memory_space<vmem>> -> memref<336xf32, #tpu.memory_space<vmem>>
    tpu.enqueue_dma source(%dma_start3A_538 : memref<336xf32, #tpu.memory_space<vmem>>) target(%dma_start3A_536 : memref<336xf32, #tpu.memory_space<hbm>>) target_semaphore(%arg9 : memref<!tpu.dma_semaphore, #tpu.memory_space<semaphore_mem>>)
    %add3A_539 = arith.constant 100000 : i32
    %add3A_540 = arith.addi %add3A_539, %min3A_3 : i32
    %dma_start3A_541 = arith.constant 3360 : i32
    %dma_start3A_542 = tpu.memref_slice %arg8[%dma_start3A_541] : memref<5376xf32, #tpu.memory_space<vmem>> -> memref<336xf32, #tpu.memory_space<vmem>>
    %dma_start3A_543 = tpu.memref_slice %arg4[%add3A_540] : memref<160000xf32, #tpu.memory_space<hbm>> -> memref<336xf32, #tpu.memory_space<hbm>>
    %dma_start3A_544 = tpu.memref_slice %arg4[%add3A_540] : memref<160000xf32, #tpu.memory_space<hbm>> -> memref<336xf32, #tpu.memory_space<hbm>>
    %dma_start3A_545 = arith.constant 3360 : i32
    %dma_start3A_546 = tpu.memref_slice %arg8[%dma_start3A_545] : memref<5376xf32, #tpu.memory_space<vmem>> -> memref<336xf32, #tpu.memory_space<vmem>>
    tpu.enqueue_dma source(%dma_start3A_546 : memref<336xf32, #tpu.memory_space<vmem>>) target(%dma_start3A_544 : memref<336xf32, #tpu.memory_space<hbm>>) target_semaphore(%arg9 : memref<!tpu.dma_semaphore, #tpu.memory_space<semaphore_mem>>)
    %add3A_547 = arith.constant 110000 : i32
    %add3A_548 = arith.addi %add3A_547, %min3A_3 : i32
    %dma_start3A_549 = arith.constant 3696 : i32
    %dma_start3A_550 = tpu.memref_slice %arg8[%dma_start3A_549] : memref<5376xf32, #tpu.memory_space<vmem>> -> memref<336xf32, #tpu.memory_space<vmem>>
    %dma_start3A_551 = tpu.memref_slice %arg4[%add3A_548] : memref<160000xf32, #tpu.memory_space<hbm>> -> memref<336xf32, #tpu.memory_space<hbm>>
    %dma_start3A_552 = tpu.memref_slice %arg4[%add3A_548] : memref<160000xf32, #tpu.memory_space<hbm>> -> memref<336xf32, #tpu.memory_space<hbm>>
    %dma_start3A_553 = arith.constant 3696 : i32
    %dma_start3A_554 = tpu.memref_slice %arg8[%dma_start3A_553] : memref<5376xf32, #tpu.memory_space<vmem>> -> memref<336xf32, #tpu.memory_space<vmem>>
    tpu.enqueue_dma source(%dma_start3A_554 : memref<336xf32, #tpu.memory_space<vmem>>) target(%dma_start3A_552 : memref<336xf32, #tpu.memory_space<hbm>>) target_semaphore(%arg9 : memref<!tpu.dma_semaphore, #tpu.memory_space<semaphore_mem>>)
    %add3A_555 = arith.constant 120000 : i32
    %add3A_556 = arith.addi %add3A_555, %min3A_3 : i32
    %dma_start3A_557 = arith.constant 4032 : i32
    %dma_start3A_558 = tpu.memref_slice %arg8[%dma_start3A_557] : memref<5376xf32, #tpu.memory_space<vmem>> -> memref<336xf32, #tpu.memory_space<vmem>>
    %dma_start3A_559 = tpu.memref_slice %arg4[%add3A_556] : memref<160000xf32, #tpu.memory_space<hbm>> -> memref<336xf32, #tpu.memory_space<hbm>>
    %dma_start3A_560 = tpu.memref_slice %arg4[%add3A_556] : memref<160000xf32, #tpu.memory_space<hbm>> -> memref<336xf32, #tpu.memory_space<hbm>>
    %dma_start3A_561 = arith.constant 4032 : i32
    %dma_start3A_562 = tpu.memref_slice %arg8[%dma_start3A_561] : memref<5376xf32, #tpu.memory_space<vmem>> -> memref<336xf32, #tpu.memory_space<vmem>>
    tpu.enqueue_dma source(%dma_start3A_562 : memref<336xf32, #tpu.memory_space<vmem>>) target(%dma_start3A_560 : memref<336xf32, #tpu.memory_space<hbm>>) target_semaphore(%arg9 : memref<!tpu.dma_semaphore, #tpu.memory_space<semaphore_mem>>)
    %add3A_563 = arith.constant 130000 : i32
    %add3A_564 = arith.addi %add3A_563, %min3A_3 : i32
    %dma_start3A_565 = arith.constant 4368 : i32
    %dma_start3A_566 = tpu.memref_slice %arg8[%dma_start3A_565] : memref<5376xf32, #tpu.memory_space<vmem>> -> memref<336xf32, #tpu.memory_space<vmem>>
    %dma_start3A_567 = tpu.memref_slice %arg4[%add3A_564] : memref<160000xf32, #tpu.memory_space<hbm>> -> memref<336xf32, #tpu.memory_space<hbm>>
    %dma_start3A_568 = tpu.memref_slice %arg4[%add3A_564] : memref<160000xf32, #tpu.memory_space<hbm>> -> memref<336xf32, #tpu.memory_space<hbm>>
    %dma_start3A_569 = arith.constant 4368 : i32
    %dma_start3A_570 = tpu.memref_slice %arg8[%dma_start3A_569] : memref<5376xf32, #tpu.memory_space<vmem>> -> memref<336xf32, #tpu.memory_space<vmem>>
    tpu.enqueue_dma source(%dma_start3A_570 : memref<336xf32, #tpu.memory_space<vmem>>) target(%dma_start3A_568 : memref<336xf32, #tpu.memory_space<hbm>>) target_semaphore(%arg9 : memref<!tpu.dma_semaphore, #tpu.memory_space<semaphore_mem>>)
    %add3A_571 = arith.constant 140000 : i32
    %add3A_572 = arith.addi %add3A_571, %min3A_3 : i32
    %dma_start3A_573 = arith.constant 4704 : i32
    %dma_start3A_574 = tpu.memref_slice %arg8[%dma_start3A_573] : memref<5376xf32, #tpu.memory_space<vmem>> -> memref<336xf32, #tpu.memory_space<vmem>>
    %dma_start3A_575 = tpu.memref_slice %arg4[%add3A_572] : memref<160000xf32, #tpu.memory_space<hbm>> -> memref<336xf32, #tpu.memory_space<hbm>>
    %dma_start3A_576 = tpu.memref_slice %arg4[%add3A_572] : memref<160000xf32, #tpu.memory_space<hbm>> -> memref<336xf32, #tpu.memory_space<hbm>>
    %dma_start3A_577 = arith.constant 4704 : i32
    %dma_start3A_578 = tpu.memref_slice %arg8[%dma_start3A_577] : memref<5376xf32, #tpu.memory_space<vmem>> -> memref<336xf32, #tpu.memory_space<vmem>>
    tpu.enqueue_dma source(%dma_start3A_578 : memref<336xf32, #tpu.memory_space<vmem>>) target(%dma_start3A_576 : memref<336xf32, #tpu.memory_space<hbm>>) target_semaphore(%arg9 : memref<!tpu.dma_semaphore, #tpu.memory_space<semaphore_mem>>)
    %add3A_579 = arith.constant 150000 : i32
    %add3A_580 = arith.addi %add3A_579, %min3A_3 : i32
    %dma_start3A_581 = arith.constant 5040 : i32
    %dma_start3A_582 = tpu.memref_slice %arg8[%dma_start3A_581] : memref<5376xf32, #tpu.memory_space<vmem>> -> memref<336xf32, #tpu.memory_space<vmem>>
    %dma_start3A_583 = tpu.memref_slice %arg4[%add3A_580] : memref<160000xf32, #tpu.memory_space<hbm>> -> memref<336xf32, #tpu.memory_space<hbm>>
    %dma_start3A_584 = tpu.memref_slice %arg4[%add3A_580] : memref<160000xf32, #tpu.memory_space<hbm>> -> memref<336xf32, #tpu.memory_space<hbm>>
    %dma_start3A_585 = arith.constant 5040 : i32
    %dma_start3A_586 = tpu.memref_slice %arg8[%dma_start3A_585] : memref<5376xf32, #tpu.memory_space<vmem>> -> memref<336xf32, #tpu.memory_space<vmem>>
    tpu.enqueue_dma source(%dma_start3A_586 : memref<336xf32, #tpu.memory_space<vmem>>) target(%dma_start3A_584 : memref<336xf32, #tpu.memory_space<hbm>>) target_semaphore(%arg9 : memref<!tpu.dma_semaphore, #tpu.memory_space<semaphore_mem>>)
    %dma_wait3A_587 = arith.constant 0 : i32
    %dma_wait3A_588 = tpu.memref_slice %arg8[%dma_wait3A_587] : memref<5376xf32, #tpu.memory_space<vmem>> -> memref<336xf32, #tpu.memory_space<vmem>>
    %dma_wait3A_589 = tpu.memref_slice %arg4[%add3A_460] : memref<160000xf32, #tpu.memory_space<hbm>> -> memref<336xf32, #tpu.memory_space<hbm>>
    %dma_wait3A_590 = tpu.memref_slice %arg4[%add3A_460] : memref<160000xf32, #tpu.memory_space<hbm>> -> memref<336xf32, #tpu.memory_space<hbm>>
    %dma_wait3A_591 = arith.constant 0 : i32
    %dma_wait3A_592 = tpu.memref_slice %arg8[%dma_wait3A_591] : memref<5376xf32, #tpu.memory_space<vmem>> -> memref<336xf32, #tpu.memory_space<vmem>>
    tpu.wait_dma2 semaphore(%arg9 : memref<!tpu.dma_semaphore, #tpu.memory_space<semaphore_mem>>) src(%dma_wait3A_592 : memref<336xf32, #tpu.memory_space<vmem>>) dst(%dma_wait3A_590 : memref<336xf32, #tpu.memory_space<hbm>>)
    %dma_wait3A_593 = arith.constant 336 : i32
    %dma_wait3A_594 = tpu.memref_slice %arg8[%dma_wait3A_593] : memref<5376xf32, #tpu.memory_space<vmem>> -> memref<336xf32, #tpu.memory_space<vmem>>
    %dma_wait3A_595 = tpu.memref_slice %arg4[%add3A_468] : memref<160000xf32, #tpu.memory_space<hbm>> -> memref<336xf32, #tpu.memory_space<hbm>>
    %dma_wait3A_596 = tpu.memref_slice %arg4[%add3A_468] : memref<160000xf32, #tpu.memory_space<hbm>> -> memref<336xf32, #tpu.memory_space<hbm>>
    %dma_wait3A_597 = arith.constant 336 : i32
    %dma_wait3A_598 = tpu.memref_slice %arg8[%dma_wait3A_597] : memref<5376xf32, #tpu.memory_space<vmem>> -> memref<336xf32, #tpu.memory_space<vmem>>
    tpu.wait_dma2 semaphore(%arg9 : memref<!tpu.dma_semaphore, #tpu.memory_space<semaphore_mem>>) src(%dma_wait3A_598 : memref<336xf32, #tpu.memory_space<vmem>>) dst(%dma_wait3A_596 : memref<336xf32, #tpu.memory_space<hbm>>)
    %dma_wait3A_599 = arith.constant 672 : i32
    %dma_wait3A_600 = tpu.memref_slice %arg8[%dma_wait3A_599] : memref<5376xf32, #tpu.memory_space<vmem>> -> memref<336xf32, #tpu.memory_space<vmem>>
    %dma_wait3A_601 = tpu.memref_slice %arg4[%add3A_476] : memref<160000xf32, #tpu.memory_space<hbm>> -> memref<336xf32, #tpu.memory_space<hbm>>
    %dma_wait3A_602 = tpu.memref_slice %arg4[%add3A_476] : memref<160000xf32, #tpu.memory_space<hbm>> -> memref<336xf32, #tpu.memory_space<hbm>>
    %dma_wait3A_603 = arith.constant 672 : i32
    %dma_wait3A_604 = tpu.memref_slice %arg8[%dma_wait3A_603] : memref<5376xf32, #tpu.memory_space<vmem>> -> memref<336xf32, #tpu.memory_space<vmem>>
    tpu.wait_dma2 semaphore(%arg9 : memref<!tpu.dma_semaphore, #tpu.memory_space<semaphore_mem>>) src(%dma_wait3A_604 : memref<336xf32, #tpu.memory_space<vmem>>) dst(%dma_wait3A_602 : memref<336xf32, #tpu.memory_space<hbm>>)
    %dma_wait3A_605 = arith.constant 1008 : i32
    %dma_wait3A_606 = tpu.memref_slice %arg8[%dma_wait3A_605] : memref<5376xf32, #tpu.memory_space<vmem>> -> memref<336xf32, #tpu.memory_space<vmem>>
    %dma_wait3A_607 = tpu.memref_slice %arg4[%add3A_484] : memref<160000xf32, #tpu.memory_space<hbm>> -> memref<336xf32, #tpu.memory_space<hbm>>
    %dma_wait3A_608 = tpu.memref_slice %arg4[%add3A_484] : memref<160000xf32, #tpu.memory_space<hbm>> -> memref<336xf32, #tpu.memory_space<hbm>>
    %dma_wait3A_609 = arith.constant 1008 : i32
    %dma_wait3A_610 = tpu.memref_slice %arg8[%dma_wait3A_609] : memref<5376xf32, #tpu.memory_space<vmem>> -> memref<336xf32, #tpu.memory_space<vmem>>
    tpu.wait_dma2 semaphore(%arg9 : memref<!tpu.dma_semaphore, #tpu.memory_space<semaphore_mem>>) src(%dma_wait3A_610 : memref<336xf32, #tpu.memory_space<vmem>>) dst(%dma_wait3A_608 : memref<336xf32, #tpu.memory_space<hbm>>)
    %dma_wait3A_611 = arith.constant 1344 : i32
    %dma_wait3A_612 = tpu.memref_slice %arg8[%dma_wait3A_611] : memref<5376xf32, #tpu.memory_space<vmem>> -> memref<336xf32, #tpu.memory_space<vmem>>
    %dma_wait3A_613 = tpu.memref_slice %arg4[%add3A_492] : memref<160000xf32, #tpu.memory_space<hbm>> -> memref<336xf32, #tpu.memory_space<hbm>>
    %dma_wait3A_614 = tpu.memref_slice %arg4[%add3A_492] : memref<160000xf32, #tpu.memory_space<hbm>> -> memref<336xf32, #tpu.memory_space<hbm>>
    %dma_wait3A_615 = arith.constant 1344 : i32
    %dma_wait3A_616 = tpu.memref_slice %arg8[%dma_wait3A_615] : memref<5376xf32, #tpu.memory_space<vmem>> -> memref<336xf32, #tpu.memory_space<vmem>>
    tpu.wait_dma2 semaphore(%arg9 : memref<!tpu.dma_semaphore, #tpu.memory_space<semaphore_mem>>) src(%dma_wait3A_616 : memref<336xf32, #tpu.memory_space<vmem>>) dst(%dma_wait3A_614 : memref<336xf32, #tpu.memory_space<hbm>>)
    %dma_wait3A_617 = arith.constant 1680 : i32
    %dma_wait3A_618 = tpu.memref_slice %arg8[%dma_wait3A_617] : memref<5376xf32, #tpu.memory_space<vmem>> -> memref<336xf32, #tpu.memory_space<vmem>>
    %dma_wait3A_619 = tpu.memref_slice %arg4[%add3A_500] : memref<160000xf32, #tpu.memory_space<hbm>> -> memref<336xf32, #tpu.memory_space<hbm>>
    %dma_wait3A_620 = tpu.memref_slice %arg4[%add3A_500] : memref<160000xf32, #tpu.memory_space<hbm>> -> memref<336xf32, #tpu.memory_space<hbm>>
    %dma_wait3A_621 = arith.constant 1680 : i32
    %dma_wait3A_622 = tpu.memref_slice %arg8[%dma_wait3A_621] : memref<5376xf32, #tpu.memory_space<vmem>> -> memref<336xf32, #tpu.memory_space<vmem>>
    tpu.wait_dma2 semaphore(%arg9 : memref<!tpu.dma_semaphore, #tpu.memory_space<semaphore_mem>>) src(%dma_wait3A_622 : memref<336xf32, #tpu.memory_space<vmem>>) dst(%dma_wait3A_620 : memref<336xf32, #tpu.memory_space<hbm>>)
    %dma_wait3A_623 = arith.constant 2016 : i32
    %dma_wait3A_624 = tpu.memref_slice %arg8[%dma_wait3A_623] : memref<5376xf32, #tpu.memory_space<vmem>> -> memref<336xf32, #tpu.memory_space<vmem>>
    %dma_wait3A_625 = tpu.memref_slice %arg4[%add3A_508] : memref<160000xf32, #tpu.memory_space<hbm>> -> memref<336xf32, #tpu.memory_space<hbm>>
    %dma_wait3A_626 = tpu.memref_slice %arg4[%add3A_508] : memref<160000xf32, #tpu.memory_space<hbm>> -> memref<336xf32, #tpu.memory_space<hbm>>
    %dma_wait3A_627 = arith.constant 2016 : i32
    %dma_wait3A_628 = tpu.memref_slice %arg8[%dma_wait3A_627] : memref<5376xf32, #tpu.memory_space<vmem>> -> memref<336xf32, #tpu.memory_space<vmem>>
    tpu.wait_dma2 semaphore(%arg9 : memref<!tpu.dma_semaphore, #tpu.memory_space<semaphore_mem>>) src(%dma_wait3A_628 : memref<336xf32, #tpu.memory_space<vmem>>) dst(%dma_wait3A_626 : memref<336xf32, #tpu.memory_space<hbm>>)
    %dma_wait3A_629 = arith.constant 2352 : i32
    %dma_wait3A_630 = tpu.memref_slice %arg8[%dma_wait3A_629] : memref<5376xf32, #tpu.memory_space<vmem>> -> memref<336xf32, #tpu.memory_space<vmem>>
    %dma_wait3A_631 = tpu.memref_slice %arg4[%add3A_516] : memref<160000xf32, #tpu.memory_space<hbm>> -> memref<336xf32, #tpu.memory_space<hbm>>
    %dma_wait3A_632 = tpu.memref_slice %arg4[%add3A_516] : memref<160000xf32, #tpu.memory_space<hbm>> -> memref<336xf32, #tpu.memory_space<hbm>>
    %dma_wait3A_633 = arith.constant 2352 : i32
    %dma_wait3A_634 = tpu.memref_slice %arg8[%dma_wait3A_633] : memref<5376xf32, #tpu.memory_space<vmem>> -> memref<336xf32, #tpu.memory_space<vmem>>
    tpu.wait_dma2 semaphore(%arg9 : memref<!tpu.dma_semaphore, #tpu.memory_space<semaphore_mem>>) src(%dma_wait3A_634 : memref<336xf32, #tpu.memory_space<vmem>>) dst(%dma_wait3A_632 : memref<336xf32, #tpu.memory_space<hbm>>)
    %dma_wait3A_635 = arith.constant 2688 : i32
    %dma_wait3A_636 = tpu.memref_slice %arg8[%dma_wait3A_635] : memref<5376xf32, #tpu.memory_space<vmem>> -> memref<336xf32, #tpu.memory_space<vmem>>
    %dma_wait3A_637 = tpu.memref_slice %arg4[%add3A_524] : memref<160000xf32, #tpu.memory_space<hbm>> -> memref<336xf32, #tpu.memory_space<hbm>>
    %dma_wait3A_638 = tpu.memref_slice %arg4[%add3A_524] : memref<160000xf32, #tpu.memory_space<hbm>> -> memref<336xf32, #tpu.memory_space<hbm>>
    %dma_wait3A_639 = arith.constant 2688 : i32
    %dma_wait3A_640 = tpu.memref_slice %arg8[%dma_wait3A_639] : memref<5376xf32, #tpu.memory_space<vmem>> -> memref<336xf32, #tpu.memory_space<vmem>>
    tpu.wait_dma2 semaphore(%arg9 : memref<!tpu.dma_semaphore, #tpu.memory_space<semaphore_mem>>) src(%dma_wait3A_640 : memref<336xf32, #tpu.memory_space<vmem>>) dst(%dma_wait3A_638 : memref<336xf32, #tpu.memory_space<hbm>>)
    %dma_wait3A_641 = arith.constant 3024 : i32
    %dma_wait3A_642 = tpu.memref_slice %arg8[%dma_wait3A_641] : memref<5376xf32, #tpu.memory_space<vmem>> -> memref<336xf32, #tpu.memory_space<vmem>>
    %dma_wait3A_643 = tpu.memref_slice %arg4[%add3A_532] : memref<160000xf32, #tpu.memory_space<hbm>> -> memref<336xf32, #tpu.memory_space<hbm>>
    %dma_wait3A_644 = tpu.memref_slice %arg4[%add3A_532] : memref<160000xf32, #tpu.memory_space<hbm>> -> memref<336xf32, #tpu.memory_space<hbm>>
    %dma_wait3A_645 = arith.constant 3024 : i32
    %dma_wait3A_646 = tpu.memref_slice %arg8[%dma_wait3A_645] : memref<5376xf32, #tpu.memory_space<vmem>> -> memref<336xf32, #tpu.memory_space<vmem>>
    tpu.wait_dma2 semaphore(%arg9 : memref<!tpu.dma_semaphore, #tpu.memory_space<semaphore_mem>>) src(%dma_wait3A_646 : memref<336xf32, #tpu.memory_space<vmem>>) dst(%dma_wait3A_644 : memref<336xf32, #tpu.memory_space<hbm>>)
    %dma_wait3A_647 = arith.constant 3360 : i32
    %dma_wait3A_648 = tpu.memref_slice %arg8[%dma_wait3A_647] : memref<5376xf32, #tpu.memory_space<vmem>> -> memref<336xf32, #tpu.memory_space<vmem>>
    %dma_wait3A_649 = tpu.memref_slice %arg4[%add3A_540] : memref<160000xf32, #tpu.memory_space<hbm>> -> memref<336xf32, #tpu.memory_space<hbm>>
    %dma_wait3A_650 = tpu.memref_slice %arg4[%add3A_540] : memref<160000xf32, #tpu.memory_space<hbm>> -> memref<336xf32, #tpu.memory_space<hbm>>
    %dma_wait3A_651 = arith.constant 3360 : i32
    %dma_wait3A_652 = tpu.memref_slice %arg8[%dma_wait3A_651] : memref<5376xf32, #tpu.memory_space<vmem>> -> memref<336xf32, #tpu.memory_space<vmem>>
    tpu.wait_dma2 semaphore(%arg9 : memref<!tpu.dma_semaphore, #tpu.memory_space<semaphore_mem>>) src(%dma_wait3A_652 : memref<336xf32, #tpu.memory_space<vmem>>) dst(%dma_wait3A_650 : memref<336xf32, #tpu.memory_space<hbm>>)
    %dma_wait3A_653 = arith.constant 3696 : i32
    %dma_wait3A_654 = tpu.memref_slice %arg8[%dma_wait3A_653] : memref<5376xf32, #tpu.memory_space<vmem>> -> memref<336xf32, #tpu.memory_space<vmem>>
    %dma_wait3A_655 = tpu.memref_slice %arg4[%add3A_548] : memref<160000xf32, #tpu.memory_space<hbm>> -> memref<336xf32, #tpu.memory_space<hbm>>
    %dma_wait3A_656 = tpu.memref_slice %arg4[%add3A_548] : memref<160000xf32, #tpu.memory_space<hbm>> -> memref<336xf32, #tpu.memory_space<hbm>>
    %dma_wait3A_657 = arith.constant 3696 : i32
    %dma_wait3A_658 = tpu.memref_slice %arg8[%dma_wait3A_657] : memref<5376xf32, #tpu.memory_space<vmem>> -> memref<336xf32, #tpu.memory_space<vmem>>
    tpu.wait_dma2 semaphore(%arg9 : memref<!tpu.dma_semaphore, #tpu.memory_space<semaphore_mem>>) src(%dma_wait3A_658 : memref<336xf32, #tpu.memory_space<vmem>>) dst(%dma_wait3A_656 : memref<336xf32, #tpu.memory_space<hbm>>)
    %dma_wait3A_659 = arith.constant 4032 : i32
    %dma_wait3A_660 = tpu.memref_slice %arg8[%dma_wait3A_659] : memref<5376xf32, #tpu.memory_space<vmem>> -> memref<336xf32, #tpu.memory_space<vmem>>
    %dma_wait3A_661 = tpu.memref_slice %arg4[%add3A_556] : memref<160000xf32, #tpu.memory_space<hbm>> -> memref<336xf32, #tpu.memory_space<hbm>>
    %dma_wait3A_662 = tpu.memref_slice %arg4[%add3A_556] : memref<160000xf32, #tpu.memory_space<hbm>> -> memref<336xf32, #tpu.memory_space<hbm>>
    %dma_wait3A_663 = arith.constant 4032 : i32
    %dma_wait3A_664 = tpu.memref_slice %arg8[%dma_wait3A_663] : memref<5376xf32, #tpu.memory_space<vmem>> -> memref<336xf32, #tpu.memory_space<vmem>>
    tpu.wait_dma2 semaphore(%arg9 : memref<!tpu.dma_semaphore, #tpu.memory_space<semaphore_mem>>) src(%dma_wait3A_664 : memref<336xf32, #tpu.memory_space<vmem>>) dst(%dma_wait3A_662 : memref<336xf32, #tpu.memory_space<hbm>>)
    %dma_wait3A_665 = arith.constant 4368 : i32
    %dma_wait3A_666 = tpu.memref_slice %arg8[%dma_wait3A_665] : memref<5376xf32, #tpu.memory_space<vmem>> -> memref<336xf32, #tpu.memory_space<vmem>>
    %dma_wait3A_667 = tpu.memref_slice %arg4[%add3A_564] : memref<160000xf32, #tpu.memory_space<hbm>> -> memref<336xf32, #tpu.memory_space<hbm>>
    %dma_wait3A_668 = tpu.memref_slice %arg4[%add3A_564] : memref<160000xf32, #tpu.memory_space<hbm>> -> memref<336xf32, #tpu.memory_space<hbm>>
    %dma_wait3A_669 = arith.constant 4368 : i32
    %dma_wait3A_670 = tpu.memref_slice %arg8[%dma_wait3A_669] : memref<5376xf32, #tpu.memory_space<vmem>> -> memref<336xf32, #tpu.memory_space<vmem>>
    tpu.wait_dma2 semaphore(%arg9 : memref<!tpu.dma_semaphore, #tpu.memory_space<semaphore_mem>>) src(%dma_wait3A_670 : memref<336xf32, #tpu.memory_space<vmem>>) dst(%dma_wait3A_668 : memref<336xf32, #tpu.memory_space<hbm>>)
    %dma_wait3A_671 = arith.constant 4704 : i32
    %dma_wait3A_672 = tpu.memref_slice %arg8[%dma_wait3A_671] : memref<5376xf32, #tpu.memory_space<vmem>> -> memref<336xf32, #tpu.memory_space<vmem>>
    %dma_wait3A_673 = tpu.memref_slice %arg4[%add3A_572] : memref<160000xf32, #tpu.memory_space<hbm>> -> memref<336xf32, #tpu.memory_space<hbm>>
    %dma_wait3A_674 = tpu.memref_slice %arg4[%add3A_572] : memref<160000xf32, #tpu.memory_space<hbm>> -> memref<336xf32, #tpu.memory_space<hbm>>
    %dma_wait3A_675 = arith.constant 4704 : i32
    %dma_wait3A_676 = tpu.memref_slice %arg8[%dma_wait3A_675] : memref<5376xf32, #tpu.memory_space<vmem>> -> memref<336xf32, #tpu.memory_space<vmem>>
    tpu.wait_dma2 semaphore(%arg9 : memref<!tpu.dma_semaphore, #tpu.memory_space<semaphore_mem>>) src(%dma_wait3A_676 : memref<336xf32, #tpu.memory_space<vmem>>) dst(%dma_wait3A_674 : memref<336xf32, #tpu.memory_space<hbm>>)
    %dma_wait3A_677 = arith.constant 5040 : i32
    %dma_wait3A_678 = tpu.memref_slice %arg8[%dma_wait3A_677] : memref<5376xf32, #tpu.memory_space<vmem>> -> memref<336xf32, #tpu.memory_space<vmem>>
    %dma_wait3A_679 = tpu.memref_slice %arg4[%add3A_580] : memref<160000xf32, #tpu.memory_space<hbm>> -> memref<336xf32, #tpu.memory_space<hbm>>
    %dma_wait3A_680 = tpu.memref_slice %arg4[%add3A_580] : memref<160000xf32, #tpu.memory_space<hbm>> -> memref<336xf32, #tpu.memory_space<hbm>>
    %dma_wait3A_681 = arith.constant 5040 : i32
    %dma_wait3A_682 = tpu.memref_slice %arg8[%dma_wait3A_681] : memref<5376xf32, #tpu.memory_space<vmem>> -> memref<336xf32, #tpu.memory_space<vmem>>
    tpu.wait_dma2 semaphore(%arg9 : memref<!tpu.dma_semaphore, #tpu.memory_space<semaphore_mem>>) src(%dma_wait3A_682 : memref<336xf32, #tpu.memory_space<vmem>>) dst(%dma_wait3A_680 : memref<336xf32, #tpu.memory_space<hbm>>)
    return
  }
}

module attributes {stable_mosaic.version = 14 : i64} {
  func.func @_tc_weight_kernel(%arg0: i32, %arg1: i32, %arg2: memref<1024x128xf32, #tpu.memory_space<vmem>>, %arg3: memref<16x1024xf32, #tpu.memory_space<vmem>>, %arg4: memref<128x1024xf32, #tpu.memory_space<vmem>>, %arg5: memref<16x1024xf32, #tpu.memory_space<vmem>>, %arg6: memref<1024x1024xf32, #tpu.memory_space<vmem>>) attributes {dimension_semantics = [#tpu.dimension_semantics<arbitrary>, #tpu.dimension_semantics<arbitrary>], iteration_bounds = array<i64: 10, 2>, scalar_prefetch = 0 : i64, scratch_operands = 0 : i64, tpu.core_type = #tpu.core_type<tc>, window_params = [{transform_indices = @transform_0, window_bounds = array<i64: 1024, 128>}, {transform_indices = @transform_1, window_bounds = array<i64: 16, 1024>}, {transform_indices = @transform_2, window_bounds = array<i64: 128, 1024>}, {transform_indices = @transform_3, window_bounds = array<i64: 16, 1024>}, {transform_indices = @transform_4, window_bounds = array<i64: 1024, 1024>}]} {
    %get3A = arith.constant 0 : index
    %get3A_0 = arith.constant 0 : index
    %get3A_1 = vector.load %arg2[%get3A, %get3A_0] : memref<1024x128xf32, #tpu.memory_space<vmem>>, vector<1024x128xf32>
    %get3A_2 = arith.constant 0 : index
    %get3A_3 = arith.constant 0 : index
    %get3A_4 = vector.load %arg3[%get3A_2, %get3A_3] : memref<16x1024xf32, #tpu.memory_space<vmem>>, vector<16x1024xf32>
    %get3A_5 = arith.constant 0 : index
    %get3A_6 = arith.constant 0 : index
    %get3A_7 = vector.load %arg4[%get3A_5, %get3A_6] : memref<128x1024xf32, #tpu.memory_space<vmem>>, vector<128x1024xf32>
    %dot_general3A = arith.constant dense<0.000000e+00> : vector<1024x1024xf32>
    %dot_general3A_8 = tpu.matmul %get3A_1, %get3A_7, %dot_general3A {dimension_numbers = #tpu.dot_dimension_numbers<[1], [0], [0], [1], [0, 0, 1, 1], [], []>, transpose_lhs_hint = false} : vector<1024x128xf32>, vector<128x1024xf32>, vector<1024x1024xf32> -> vector<1024x1024xf32>
    %get3A_9 = arith.constant 0 : index
    %get3A_10 = arith.constant 0 : index
    %get3A_11 = vector.load %arg5[%get3A_9, %get3A_10] : memref<16x1024xf32, #tpu.memory_space<vmem>>, vector<16x1024xf32>
    %dot_general3A_12 = arith.constant dense<0.000000e+00> : vector<1024x1024xf32>
    %dot_general3A_13 = tpu.matmul %get3A_4, %get3A_11, %dot_general3A_12 {dimension_numbers = #tpu.dot_dimension_numbers<[0], [0], [1], [1], [0, 1, 1, 1], [], []>, transpose_lhs_hint = false} : vector<16x1024xf32>, vector<16x1024xf32>, vector<1024x1024xf32> -> vector<1024x1024xf32>
    %mul3A = arith.mulf %dot_general3A_8, %dot_general3A_13 : vector<1024x1024xf32>
    %swap3A = arith.constant 0 : index
    %swap3A_14 = arith.constant 0 : index
    %swap3A_15 = vector.load %arg6[%swap3A, %swap3A_14] : memref<1024x1024xf32, #tpu.memory_space<vmem>>, vector<1024x1024xf32>
    tpu.vector_store %arg6[%swap3A, %swap3A_14], %mul3A {strides = array<i32>} : memref<1024x1024xf32, #tpu.memory_space<vmem>>, vector<1024x1024xf32>,
    return
  }
  func.func @transform_0(%arg0: i32, %arg1: i32) -> (i32, i32) {
    %c0_i32 = arith.constant 0 : i32
    %c0_i32_0 = arith.constant 0 : i32
    return %arg0, %c0_i32 : i32, i32
  }
  func.func @transform_1(%arg0: i32, %arg1: i32) -> (i32, i32) {
    %c0_i32 = arith.constant 0 : i32
    %c0_i32_0 = arith.constant 0 : i32
    return %c0_i32, %arg0 : i32, i32
  }
  func.func @transform_2(%arg0: i32, %arg1: i32) -> (i32, i32) {
    %c0_i32 = arith.constant 0 : i32
    %c0_i32_0 = arith.constant 0 : i32
    return %c0_i32, %arg1 : i32, i32
  }
  func.func @transform_3(%arg0: i32, %arg1: i32) -> (i32, i32) {
    %c0_i32 = arith.constant 0 : i32
    %c0_i32_0 = arith.constant 0 : i32
    return %c0_i32, %arg1 : i32, i32
  }
  func.func @transform_4(%arg0: i32, %arg1: i32) -> (i32, i32) {
    %c0_i32 = arith.constant 0 : i32
    return %arg0, %arg1 : i32, i32
  }
}

</mosaic_0001>

<sc_bundles>
// kernel: kernel.4.cloned.1.call-start
scs
__scs_entry_jumppad:
0x0: {  	(pc) =	sbr.rel $0x88, $3  }
0x1: {  	(tag) =	ssettag $0x0;
	lr =	simm.s32 $0x1  }
0x2: {  	[smem:$0x3F9E] =	sst lr;
	_ =	strace $0xD0000000  }
0x3: {  	_ = 	snop  }
0x4: {  	_ = 	snop  }
0x5: {  	_ = 	snop  }
0x6: {  	_ = 	snop  }
0x7: {  	_ = 	snop  }
__scs_overlays_trampoline_lowered:
0x8: {  	[smem:$0x3FAD] =	sst s0  }
0x9: {  	[smem:$0x3FAE] =	sst s1  }
0xa: {  	[smem:$0x3FAF] =	sst s2  }
0xb: {  	[smem:$0x3FB0] =	sst s3  }
0xc: {  	[smem:$0x3FB1] =	sst s4  }
0xd: {  	[smem:$0x3FB2] =	sst s5  }
0xe: {  	[smem:$0x3FB3] =	sst s6  }
0xf: {  	[smem:$0x3FB4] =	sst s7  }
0x10: {  	[smem:$0x3FB5] =	sst s8  }
0x11: {  	[smem:$0x3FB6] =	sst s9;
	s0 =	simm.s32 @!p0 $0x0  }
0x12: {  	s1 =	sld [smem:$0x3F9C];
	s0 =	simm.s32 @p0 $0x1  }
0x13: {  	[smem:$0x3FB7] =	sst s0;
	s0 =	simm.s32 @!p1 $0x0  }
0x14: {  	s2 =	sld [smem:$0x3F9B];
	s0 =	simm.s32 @p1 $0x1  }
0x15: {  	[smem:$0x3FB8] =	sst s0;
	s0 =	simm.s32 @!p2 $0x0  }
0x16: {  	s3 =	sld [smem:$0x3FDB];
	s0 =	simm.s32 @p2 $0x1  }
0x17: {  	s4 =	simm.s32 $0x1BF5;
	[smem:$0x3FBA] =	sst s0  }
0x18: {  	s0 =	sld [smem:$0x3F9D];
	_ =	swait.ge [sflag:s4], $0x0  }
0x19: {  	s7 =	sld [smem:$0x3F9E]  }
0x1a: {  	s8 =	sadd.s32 $0xFFFFE003, lr  }
0x1b: {  	s9 =	sadd.s32 $0xFFFFFEF7, lr;
	s5 =	simm.s32 $0xFFFFFFFF;
	p2 =	slt.u32 s8, $0xFFFFF086  }
0x1c: {  	p1 =	slt.u32 s9, $0xF7A;
	s5 =	simm.s32 @!p2 $0x0  }
0x1d: {  	s5 =	simm.s32 @p1 $0x1;
	p0 =	seq.s32 s7, s2  }
0x1e: {  	s7 =	smul.u32 @!p0 $0xF7A, s2;
	p2 =	seq.s32 @!p0 s5, $0x0  }
0x1f: {  	s9 =	smul.u32 $0xF7A, s1;
	s8 =	simm.s32 @!p0 $0x1BF5;
	p2 =	por !p2, p0  }
0x20: {  	[sflag:s8] =	ssyncset.s32 @!p0 $0xFFFFF086;
	s6 =	sadd.s32 @!p0 s3, s7;
	s7 =	simm.s32 @!p0 $0x108  }
0x21: {  	s3 =	sadd.s32 s3, s9;
	s6 =	sadd.s32 @!p0 $0x88, s6;
	s7 =	simm.s32 @p2 $0x1082  }
0x22: {  	[simem:s7], [sflag:s8] =	dma.local @!p0 [hbm:s6], $0xF7A  }
0x23: {  	s9 =	sor.u32 $0xD0000000, s2;
	s6 =	simm.s32 $0x108;
	_ =	swait.ge @!p0 [sflag:s8], $0x0  }
0x24: {  	s3 =	sadd.s32 $0x88, s3;
	s6 =	simm.s32 @!p1 $0x1082;
	[sflag:s4] =	ssyncset.s32 $0xFFFFF086  }
0x25: {  	[simem:s6], [sflag:s4] =	dma.local [hbm:s3], $0xF7A  }
0x26: {  	[smem:$0x3F9E] =	sst s1;
	(tag) =	ssettag s2;
	_ =	strace s9  }
0x27: {  	s1 =	sld [smem:$0x3FAE]  }
0x28: {  	s2 =	sld [smem:$0x3FAF]  }
0x29: {  	s4 =	sld [smem:$0x3FB1]  }
0x2a: {  	p0 =	seq.s32 s5, $0x0;
	s5 =	sld [smem:$0x3FB2]  }
0x2b: {  	s6 =	sld [smem:$0x3FB3]  }
0x2c: {  	s7 =	sld [smem:$0x3FB4]  }
0x2d: {  	s3 =	simm.s32 $0x108;
	s8 =	sld [smem:$0x3FB5]  }
0x2e: {  	s3 =	simm.s32 @!p0 $0x1082;
	s9 =	sld [smem:$0x3FB6]  }
0x2f: {  	lr =	sadd.s32 s0, s3;
	s0 =	sld [smem:$0x3FAD]  }
0x30: {  	s3 =	sld [smem:$0x3FB0]  }
0x31: {  	[smem:$0x3FB9] =	sst s10  }
0x32: {  	s10 =	sld [smem:$0x3FB7];
	_ =	sdelay $0x3  }
0x33: {  	p0 =	seq.s32 s10, $0x1;
	s10 =	sld [smem:$0x3FB9];
	_ =	sdelay $0x3  }
0x34: {  	[smem:$0x3FB9] =	sst s10  }
0x35: {  	s10 =	sld [smem:$0x3FB8];
	_ =	sdelay $0x3  }
0x36: {  	p1 =	seq.s32 s10, $0x1;
	s10 =	sld [smem:$0x3FB9];
	_ =	sdelay $0x3  }
0x37: {  	[smem:$0x3FB9] =	sst s10  }
0x38: {  	s10 =	sld [smem:$0x3FBA]  }
0x39: {  	_ = 	snop;
	(pc) =	sbr.ind lr, $3  }
0x3a: {  	_ = 	snop  }
0x3b: {  	_ = 	snop  }
0x3c: {  	p2 =	seq.s32 s10, $0x1;
	s10 =	sld [smem:$0x3FB9]  }
0x3d: {  	_ =	shalt  }
0x3e: {  	_ =	shalt  }
0x3f: {  	_ =	shalt  }
0x40: {  	_ =	shalt  }
0x41: {  	_ =	shalt  }
0x42: {  	_ =	shalt  }
0x43: {  	_ =	shalt  }
0x44: {  	_ =	shalt  }
0x45: {  	_ =	shalt  }
0x46: {  	_ =	shalt  }
0x47: {  	_ =	shalt  }
0x48: {  	_ =	shalt  }
0x49: {  	_ =	shalt  }
0x4a: {  	_ =	shalt  }
0x4b: {  	_ =	shalt  }
0x4c: {  	_ =	shalt  }
0x4d: {  	_ =	shalt  }
0x4e: {  	_ =	shalt  }
0x4f: {  	_ =	shalt  }
0x50: {  	_ =	shalt  }
0x51: {  	_ =	shalt  }
0x52: {  	_ =	shalt  }
0x53: {  	_ =	shalt  }
0x54: {  	_ =	shalt  }
0x55: {  	_ =	shalt  }
0x56: {  	_ =	shalt  }
0x57: {  	_ =	shalt  }
0x58: {  	_ =	shalt  }
0x59: {  	_ =	shalt  }
0x5a: {  	_ =	shalt  }
0x5b: {  	_ =	shalt  }
0x5c: {  	_ =	shalt  }
0x5d: {  	_ =	shalt  }
0x5e: {  	_ =	shalt  }
0x5f: {  	_ =	shalt  }
0x60: {  	_ =	shalt  }
0x61: {  	_ =	shalt  }
0x62: {  	_ =	shalt  }
0x63: {  	_ =	shalt  }
0x64: {  	_ =	shalt  }
0x65: {  	_ =	shalt  }
0x66: {  	_ =	shalt  }
0x67: {  	_ =	shalt  }
0x68: {  	_ =	shalt  }
0x69: {  	_ =	shalt  }
0x6a: {  	_ =	shalt  }
0x6b: {  	_ =	shalt  }
0x6c: {  	_ =	shalt  }
0x6d: {  	_ =	shalt  }
0x6e: {  	_ =	shalt  }
0x6f: {  	_ =	shalt  }
0x70: {  	_ =	shalt  }
0x71: {  	_ =	shalt  }
0x72: {  	_ =	shalt  }
0x73: {  	_ =	shalt  }
0x74: {  	_ =	shalt  }
0x75: {  	_ =	shalt  }
0x76: {  	_ =	shalt  }
0x77: {  	_ =	shalt  }
0x78: {  	_ =	shalt  }
0x79: {  	_ =	shalt  }
0x7a: {  	_ =	shalt  }
0x7b: {  	_ =	shalt  }
0x7c: {  	_ =	shalt  }
0x7d: {  	_ =	shalt  }
0x7e: {  	_ =	shalt  }
0x7f: {  	_ =	shalt  }
0x80: {  	_ =	shalt  }
0x81: {  	_ =	shalt  }
0x82: {  	_ =	shalt  }
0x83: {  	_ =	shalt  }
0x84: {  	_ =	shalt  }
0x85: {  	_ =	shalt  }
0x86: {  	_ =	shalt  }
0x87: {  	_ =	shalt  }
.Lfunc_end0:
.L_simem_size_0:
called_computation_lowered:
.L_overlay_start_0:
0x88: {  	s2 =	sld [smem:$0x3FD9]  }
0x89: {  	s3 =	sld [smem:$0x3FFE];
	_ =	sdelay $0x1  }
0x8a: {  	s1 =	srdreg.scid  }
0x8b: {  	s0 =	sand.u32 $0x1, s1  }
0x8c: {  	s17 =	sshll.u32 s0, $0xA;
	s2 =	sadd.s32 s3, s2  }
0x8d: {  	s2 =	sadd.s32 s2, s17  }
0x8e: {  	[smem:$0x3FC5] =	sst s2  }
0x8f: {  	_ = 	snop  }
0x90: {  	s2 =	sld [smem:$0x3FD0];
	(tm) =	ssettm $0x1  }
0x91: {  	s18 =	sld [smem:$0x3FFB];
	_ =	sdelay $0x3  }
0x92: {  	_ =	strace s18  }
0x93: {  	s3 =	sld [smem:$0x3FFC];
	_ =	sdelay $0x3  }
0x94: {  	_ =	strace s3  }
0x95: {  	s3 =	sld [smem:$0x3FFD];
	_ =	sdelay $0x3  }
0x96: {  	_ =	strace s3  }
0x97: {  	_ =	strace $0x8FFFFFFF  }
0x98: {  	s19 =	sld [smem:$0x3FDB];
	_ =	sdelay $0x1  }
0x99: {  	s4 =	simm.s32 $_scs_section_size  }
0x9a: {  	s5 =	simm.s32 $_size__tile_overlayer_lowered;
	s6 =	simm.s32 $_tile_overlayer_lowered  }
0x9b: {  	s22 =	simm.s32 $0x1BFF;
	s21 =	sshll.u32 s6, $0x1;
	s3 =	sadd.s32 s4, s19  }
0x9c: {  	s7 =	simm.s32 $0x0;
	s20 =	sshll.u32 s5, $0x1;
	s5 =	sadd.s32 s21, s3  }
0x9d: {  	[timem:s7], [sflag:s22] =	dma.local [hbm:s5], s20  }
0x9e: {  	_ =	swait.ge [sflag:s22], s20  }
0x9f: {  	s4 =	ssub.s32 $0x0, s20;
	[sflag:s22] =	ssyncset.done $0x0  }
0xa0: {  	[sflag:s22] =	ssyncadd.s32 s4;
	_ =	sdelay $0x1  }
0xa1: {  	s23 =	simm.s32 $0x1B8B  }
0xa2: {  	_ =	swait.ge [sflag:s23], $0x1  }
0xa3: {  	[sflag:s23] =	ssyncset.done $0x0  }
0xa4: {  	s25 =	simm.s32 $0x1B8E;
	s24 =	sld [smem:$0x3FFE];
	[sflag:s23] =	ssyncadd.s32 $0xFFFFFFFF  }
0xa5: {  	s26 =	simm.s32 $execute0_lowered;
	[smem:$0x3FD2] =	sst s25  }
0xa6: {  	s5 =	sshll.u32 s26, $0x1;
	_ =	strace $0x80000046;
	[dreg:$0x1] =	wrdreg $0xFFFFFFFF  }
0xa7: {  	s28 =	simm.s32 $_size_execute0_lowered;
	s3 =	sadd.s32 s3, s5;
	[dreg:$0x0] =	wrdreg $0x0  }
0xa8: {  	s5 =	sshll.u32 s28, $0x1;
	[dreg:$0x2] =	wrdreg s3  }
0xa9: {  	[dreg:$0x3] =	wrdreg s5  }
0xaa: {  	[dreg:$0x4] =	wrdreg $0xC0  }
0xab: {  	_ =	task [dreg:s7], $0x5FFFF  }
0xac: {  	[dreg:$0x1] =	wrdreg $0xFFFFFFFF  }
0xad: {  	[dreg:$0x0] =	wrdreg $0x60  }
0xae: {  	[dreg:$0x2] =	wrdreg s24  }
0xaf: {  	[dreg:$0x3] =	wrdreg s2  }
0xb0: {  	[dreg:$0x4] =	wrdreg $0x0  }
0xb1: {  	[dreg:$0x5] =	wrdreg $0x9  }
0xb2: {  	_ =	task.clear_ibuf [dreg:s7], $0x6FFFF;
	_ =	strace $0x90000046  }
0xb3: {  	s29 =	simm.s32 $0x9;
	_ =	strace $0x80000048  }
0xb4: {  	_ =	swait.ge [sflag:s29], $0x1  }
0xb5: {  	[sflag:s29] =	ssyncadd.s32 $0xFFFFFFFF  }
0xb6: {  	_ =	strace $0x90000048  }
0xb7: {  	_ =	sfence  }
0xb8: {  	s30 =	sld [smem:$0x0];
	_ =	sdelay $0x2  }
0xb9: {  	s31 =	sshll.u32 s1, $0xD;
	s1 =	sshrl.u32 s1, $0x2  }
0xba: {  	s3 =	sand.u32 $0x4000, s31;
	s1 =	sadd.s32 s1, s30  }
0xbb: {  	s0 =	sor.u32 s3, s0;
	s1 =	sshll.u32 s1, $0x11  }
0xbc: {  	s0 =	sor.u32 s1, s0  }
0xbd: {  	s0 =	sadd.s32 $0x8F2B, s0  }
0xbe: {  	[sflag:s0] =	ssyncadd.remote.s32 $0x1  }
0xbf: {  	_ =	sfence.sel $0xFFFF  }
0xc0: {  	[dreg:$0x0] =	wrdreg $0xFFFFFFFF;
	(pc) =	sbr.abs _section_cstart, $3  }
0xc1: {  	[dreg:$0x1] =	wrdreg $0xFFFFFFFF  }
0xc2: {  	_ =	task.clear_ibuf [dreg:s7], $0x2FFFF;
	_ =	strace $0x9FFFFFFF  }
0xc3: {  	(tm) =	ssettm $0x7FFFFFFF  }
tec
execute0_lowered:
.L_overlay_start_1:
0x0: {  	(tag) =	ssettag $0x1  }
0x1: {  	s0 =	srdreg.scid;
	s3 =	stileid.u32  }
0x2: {  	s1 =	sand.u32 $0x1, s0;
	s21 =	sshll.u32 s3, $0x1  }
0x3: {  	s0 =	sor.u32 s1, s21  }
0x4: {  	s2 =	smul.u32 $0x138, s0  }
0x5: {  	s6 =	ssub.s32 $0x2, s1  }
0x6: {  	s4 =	rddreg [dreg:$0x0];
	s7 =	sshrl.u32 s6, $0x1;
	s1 =	smin.u32 s2, $0x25C0  }
0x7: {  	s5 =	rddreg [dreg:$0x1];
	s9 =	ssub.s32 s6, s7;
	s6 =	sshrl.u32 s1, $0x3  }
0x8: {  	s8 =	sadd.s32 $0x2600, s4;
	s0 =	simm.s32 $0x0;
	s7 =	sadd.s32 $0x4E2, s6  }
0x9: {  	[smem:$0x7FF] =	sst s0;
	s10 =	sadd.s32 $0x9C4, s6;
	s11 =	sadd.s32 s5, s7  }
0xa: {  	s13 =	sadd.s32 $0x186A, s6;
	s22 =	sadd.s32 s5, s10;
	[dreg:$0x4] =	wrdreg s11  }
0xb: {  	s24 =	sadd.s32 $0x222E, s6;
	s23 =	sadd.s32 s5, s13;
	[dreg:$0x5] =	wrdreg s22  }
0xc: {  	s16 =	sadd.s32 $0x2710, s6;
	s17 =	sadd.s32 s5, s24;
	[dreg:$0x8] =	wrdreg s23  }
0xd: {  	s26 =	sadd.s32 $0x2BF2, s6;
	s25 =	sadd.s32 s5, s16;
	[dreg:$0xa] =	wrdreg s17  }
0xe: {  	s28 =	sadd.s32 $0x30D4, s6;
	s18 =	sadd.s32 s5, s26;
	[dreg:$0xb] =	wrdreg s25  }
0xf: {  	s19 =	sadd.s32 $0x35B6, s6;
	s20 =	sadd.s32 s5, s28;
	[dreg:$0xc] =	wrdreg s18  }
0x10: {  	s30 =	sadd.s32 $0x3A98, s6;
	s29 =	sadd.s32 s5, s19;
	[dreg:$0xd] =	wrdreg s20  }
0x11: {  	p0 =	sne.s32 s3, $0x0;
	s21 =	sadd.s32 s5, s30;
	[dreg:$0xe] =	wrdreg s29  }
0x12: {  	s2 =	sadd.s32 s5, s6;
	s7 =	sadd.s32 s8, s7;
	[dreg:$0xf] =	wrdreg s21  }
0x13: {  	s10 =	sadd.s32 s8, s10;
	s13 =	sadd.s32 s8, s13;
	[dreg:$0x14] =	wrdreg s7  }
0x14: {  	s24 =	sadd.s32 s8, s24;
	s26 =	sadd.s32 s8, s26;
	[dreg:$0x15] =	wrdreg s10  }
0x15: {  	s28 =	sadd.s32 s8, s28;
	s30 =	sadd.s32 s8, s30;
	[dreg:$0x18] =	wrdreg s13  }
0x16: {  	s3 =	sadd.s32 $0x88B8, s2;
	s11 =	sadd.s32 $0xEA6, s6;
	[dreg:$0x1a] =	wrdreg s24  }
0x17: {  	s21 =	sadd.s32 $0x3F7A, s6;
	s22 =	sadd.s32 $0x445C, s6;
	[dreg:$0x1c] =	wrdreg s26  }
0x18: {  	s25 =	sadd.s32 s8, s16;
	[dreg:$0x1d] =	wrdreg s28;
	s29 =	sadd.s32 s8, s19  }
0x19: {  	[dreg:$0x1f] =	wrdreg s30;
	s7 =	sadd.s32 $0xC00, s4;
	s10 =	sadd.s32 $0x5302, s2  }
0x1a: {  	s13 =	sadd.s32 $0x61A8, s2;
	s16 =	sadd.s32 $0x704E, s2;
	s17 =	sadd.s32 $0x7530, s2  }
0x1b: {  	s18 =	sadd.s32 $0x7A12, s2;
	s19 =	sadd.s32 $0x7EF4, s2;
	[dreg:$0x1b] =	wrdreg s25  }
0x1c: {  	s20 =	sadd.s32 $0x83D6, s2;
	s12 =	sadd.s32 s5, s11;
	[dreg:$0x1e] =	wrdreg s29  }
0x1d: {  	s24 =	simm.s32 $0xC38;
	s23 =	sadd.s32 s5, s21;
	[dreg:$0x6] =	wrdreg s12  }
0x1e: {  	s26 =	simm.s32 $0x0;
	s31 =	sadd.s32 s5, s22;
	[dreg:$0x10] =	wrdreg s23  }
0x1f: {  	s11 =	sadd.s32 s8, s11;
	s25 =	simm.s32 $0x1;
	[dreg:$0x11] =	wrdreg s31  }
0x20: {  	s12 =	sadd.s32 $0x1388, s6;
	[dreg:$0x16] =	wrdreg s11;
	s31 =	sadd.s32 s8, s21  }
0x21: {  	s23 =	sadd.s32 $0x493E, s6;
	s14 =	sadd.s32 s5, s12;
	[smem:$0x7FD] =	sst s31  }
0x22: {  	s11 =	sadd.s32 $0x57E4, s2;
	s12 =	sadd.s32 s8, s12;
	[dreg:$0x7] =	wrdreg s14  }
0x23: {  	s14 =	sadd.s32 $0x1D4C, s6;
	s6 =	sadd.s32 s8, s6;
	[dreg:$0x17] =	wrdreg s12  }
0x24: {  	s21 =	sadd.s32 $0x8D9A, s2;
	s15 =	sadd.s32 s5, s14;
	[dreg:$0x13] =	wrdreg s6  }
0x25: {  	s12 =	sadd.s32 $0x5CC6, s2;
	s5 =	sadd.s32 s5, s23;
	[dreg:$0x9] =	wrdreg s15  }
0x26: {  	v0 =	vlaneseq.u32;
	s14 =	sadd.s32 s8, s14;
	s6 =	sadd.s32 s8, s23;
	[dreg:$0x12] =	wrdreg s5  }
0x27: {  	v0 =	vmul.u32 $0x5, v0;
	s23 =	sadd.s32 $0x975E, s2;
	[dreg:$0x19] =	wrdreg s14;
	s5 =	sadd.s32 s8, s22  }
0x28: {  	s8 =	smax.u32 s9, $0x1;
	s9 =	sadd.s32 $0x4E20, s2;
	s14 =	sadd.s32 $0x668A, s2  }
0x29: {  	v1 =	vadd.s32 $0x1, v0;
	v2 =	vadd.s32 $0x2, v0;
	v3 =	vadd.s32 $0x3, v0;
	s15 =	sadd.s32 $0x6B6C, s2;
	s22 =	sadd.s32 $0x927C, s2;
	_ =	strace $0x80000047  }
.LBB2_1:
0x2a: {  	s4 =	simm.s32 $0xCFB8  }
0x2b: {  	[tilespmem:s4], [sflag:$0x1] =	stream.linear.gather [hbm4b:s2+s0], $0x150, $0x38;
	[tilespmem:$0x10EB8] =	vst v63  }
0x2c: {  	s31 =	rddreg [dreg:$0x4];
	s28 =	simm.s32 $0xD108  }
0x2d: {  	[tilespmem:s28], [sflag:$0x1] =	stream.linear.gather [hbm4b:s31+s0], $0x150, $0x38;
	[tilespmem:$0x10EB8] =	vst v63  }
0x2e: {  	s30 =	rddreg [dreg:$0x5];
	s28 =	simm.s32 $0xD258  }
0x2f: {  	[tilespmem:s28], [sflag:$0x1] =	stream.linear.gather [hbm4b:s30+s0], $0x150, $0x38;
	[tilespmem:$0x10EB8] =	vst v63  }
0x30: {  	s31 =	rddreg [dreg:$0x6];
	s28 =	simm.s32 $0xD3A8  }
0x31: {  	[tilespmem:s28], [sflag:$0x1] =	stream.linear.gather [hbm4b:s31+s0], $0x150, $0x38;
	[tilespmem:$0x10EB8] =	vst v63  }
0x32: {  	s30 =	rddreg [dreg:$0x7];
	s28 =	simm.s32 $0xD4F8  }
0x33: {  	[tilespmem:s28], [sflag:$0x1] =	stream.linear.gather [hbm4b:s30+s0], $0x150, $0x38;
	[tilespmem:$0x10EB8] =	vst v63  }
0x34: {  	s31 =	rddreg [dreg:$0x8];
	s28 =	simm.s32 $0xD648  }
0x35: {  	[tilespmem:s28], [sflag:$0x1] =	stream.linear.gather [hbm4b:s31+s0], $0x150, $0x38;
	[tilespmem:$0x10EB8] =	vst v63  }
0x36: {  	s30 =	rddreg [dreg:$0x9];
	s28 =	simm.s32 $0xD798  }
0x37: {  	[tilespmem:s28], [sflag:$0x1] =	stream.linear.gather [hbm4b:s30+s0], $0x150, $0x38;
	[tilespmem:$0x10EB8] =	vst v63  }
0x38: {  	s31 =	rddreg [dreg:$0xa];
	s28 =	simm.s32 $0xD8E8  }
0x39: {  	[tilespmem:s28], [sflag:$0x1] =	stream.linear.gather [hbm4b:s31+s0], $0x150, $0x38;
	[tilespmem:$0x10EB8] =	vst v63  }
0x3a: {  	s30 =	rddreg [dreg:$0xb];
	s28 =	simm.s32 $0xDA38  }
0x3b: {  	[tilespmem:s28], [sflag:$0x1] =	stream.linear.gather [hbm4b:s30+s0], $0x150, $0x38;
	[tilespmem:$0x10EB8] =	vst v63  }
0x3c: {  	s31 =	rddreg [dreg:$0xc];
	s28 =	simm.s32 $0xDB88  }
0x3d: {  	[tilespmem:s28], [sflag:$0x1] =	stream.linear.gather [hbm4b:s31+s0], $0x150, $0x38;
	[tilespmem:$0x10EB8] =	vst v63  }
0x3e: {  	s30 =	rddreg [dreg:$0xd];
	s28 =	simm.s32 $0xDCD8  }
0x3f: {  	[tilespmem:s28], [sflag:$0x1] =	stream.linear.gather [hbm4b:s30+s0], $0x150, $0x38;
	[tilespmem:$0x10EB8] =	vst v63  }
0x40: {  	s31 =	rddreg [dreg:$0xe];
	s28 =	simm.s32 $0xDE28  }
0x41: {  	[tilespmem:s28], [sflag:$0x1] =	stream.linear.gather [hbm4b:s31+s0], $0x150, $0x38;
	[tilespmem:$0x10EB8] =	vst v63  }
0x42: {  	s30 =	rddreg [dreg:$0xf];
	s28 =	simm.s32 $0xDF78  }
0x43: {  	[tilespmem:s28], [sflag:$0x1] =	stream.linear.gather [hbm4b:s30+s0], $0x150, $0x38;
	[tilespmem:$0x10EB8] =	vst v63  }
0x44: {  	s31 =	rddreg [dreg:$0x10];
	s28 =	simm.s32 $0xE0C8  }
0x45: {  	[tilespmem:s28], [sflag:$0x1] =	stream.linear.gather [hbm4b:s31+s0], $0x150, $0x38;
	[tilespmem:$0x10EB8] =	vst v63  }
0x46: {  	s30 =	rddreg [dreg:$0x11];
	s28 =	simm.s32 $0xE218  }
0x47: {  	[tilespmem:s28], [sflag:$0x1] =	stream.linear.gather [hbm4b:s30+s0], $0x150, $0x38;
	[tilespmem:$0x10EB8] =	vst v63  }
0x48: {  	s31 =	rddreg [dreg:$0x12];
	s28 =	simm.s32 $0xE368  }
0x49: {  	[tilespmem:s28], [sflag:$0x1] =	stream.linear.gather [hbm4b:s31+s0], $0x150, $0x38;
	[tilespmem:$0x10EB8] =	vst v63  }
0x4a: {  	s30 =	simm.s32 $0xE4B8  }
0x4b: {  	[tilespmem:s30], [sflag:$0x1] =	stream.linear.gather [hbm4b:s9+s0], $0x150, $0x38;
	[tilespmem:$0x10EB8] =	vst v63  }
0x4c: {  	s31 =	simm.s32 $0xE608  }
0x4d: {  	[tilespmem:s31], [sflag:$0x1] =	stream.linear.gather [hbm4b:s10+s0], $0x150, $0x38;
	[tilespmem:$0x10EB8] =	vst v63  }
0x4e: {  	s30 =	simm.s32 $0xE758  }
0x4f: {  	[tilespmem:s30], [sflag:$0x1] =	stream.linear.gather [hbm4b:s11+s0], $0x150, $0x38;
	[tilespmem:$0x10EB8] =	vst v63  }
0x50: {  	s31 =	simm.s32 $0xE8A8  }
0x51: {  	[tilespmem:s31], [sflag:$0x1] =	stream.linear.gather [hbm4b:s12+s0], $0x150, $0x38;
	[tilespmem:$0x10EB8] =	vst v63  }
0x52: {  	s30 =	simm.s32 $0xE9F8  }
0x53: {  	[tilespmem:s30], [sflag:$0x1] =	stream.linear.gather [hbm4b:s13+s0], $0x150, $0x38;
	[tilespmem:$0x10EB8] =	vst v63  }
0x54: {  	s31 =	simm.s32 $0xEB48  }
0x55: {  	[tilespmem:s31], [sflag:$0x1] =	stream.linear.gather [hbm4b:s14+s0], $0x150, $0x38;
	[tilespmem:$0x10EB8] =	vst v63  }
0x56: {  	s30 =	simm.s32 $0xEC98  }
0x57: {  	[tilespmem:s30], [sflag:$0x1] =	stream.linear.gather [hbm4b:s15+s0], $0x150, $0x38;
	[tilespmem:$0x10EB8] =	vst v63  }
0x58: {  	s31 =	simm.s32 $0xEDE8  }
0x59: {  	[tilespmem:s31], [sflag:$0x1] =	stream.linear.gather [hbm4b:s16+s0], $0x150, $0x38;
	[tilespmem:$0x10EB8] =	vst v63  }
0x5a: {  	s30 =	simm.s32 $0xEF38  }
0x5b: {  	[tilespmem:s30], [sflag:$0x1] =	stream.linear.gather [hbm4b:s17+s0], $0x150, $0x38;
	[tilespmem:$0x10EB8] =	vst v63  }
0x5c: {  	s31 =	simm.s32 $0xF088  }
0x5d: {  	[tilespmem:s31], [sflag:$0x1] =	stream.linear.gather [hbm4b:s18+s0], $0x150, $0x38;
	[tilespmem:$0x10EB8] =	vst v63  }
0x5e: {  	s30 =	simm.s32 $0xF1D8  }
0x5f: {  	[tilespmem:s30], [sflag:$0x1] =	stream.linear.gather [hbm4b:s19+s0], $0x150, $0x38;
	[tilespmem:$0x10EB8] =	vst v63  }
0x60: {  	s31 =	simm.s32 $0xF328  }
0x61: {  	[tilespmem:s31], [sflag:$0x1] =	stream.linear.gather [hbm4b:s20+s0], $0x150, $0x38;
	[tilespmem:$0x10EB8] =	vst v63  }
0x62: {  	s30 =	simm.s32 $0xF478  }
0x63: {  	[tilespmem:s30], [sflag:$0x1] =	stream.linear.gather [hbm4b:s3+s0], $0x150, $0x38;
	[tilespmem:$0x10EB8] =	vst v63  }
0x64: {  	s31 =	simm.s32 $0xF5C8  }
0x65: {  	[tilespmem:s31], [sflag:$0x1] =	stream.linear.gather [hbm4b:s21+s0], $0x150, $0x38;
	[tilespmem:$0x10EB8] =	vst v63  }
0x66: {  	s29 =	rddreg [dreg:$0x2];
	s30 =	simm.s32 $0xF718  }
0x67: {  	[tilespmem:s30], [sflag:$0x1] =	stream.linear.gather [hbm4b:s22+s0], $0x150, $0x38;
	[tilespmem:$0x10EB8] =	vst v63  }
0x68: {  	s4 =	sshrl.u32 @!p0 s29, $0x3;
	s28 =	simm.s32 @!p0 $0x1C02;
	s31 =	simm.s32 $0xF868  }
0x69: {  	[tilespmem:s31], [sflag:$0x1] =	stream.linear.gather [hbm4b:s23+s0], $0x150, $0x38;
	[tilespmem:$0x10EB8] =	vst v63  }
0x6a: {  	[spmem:s4], [sflag:s28] =	dma.local @!p0 [hbm:s7], $0x1870  }
0x6b: {  	s4 =	simm.s32 @!p0 $0x2  }
0x6c: {  	_ =	swait.ge @!p0 [sflag:s4], $0x1870  }
0x6d: {  	[sflag:s4] =	ssyncset.done @!p0 $0x0  }
0x6e: {  	[sflag:s4] =	ssyncadd.s32 @!p0 $0xFFFFE790  }
0x6f: {  	[bflag:$0x0] =	sbarrier.arrive $0xFFFF  }
0x70: {  	[tilespmem:s24], [sflag:$0x1] =	stream.linear.gather [spmem:s29], $0xC380, $0x38;
	[tilespmem:$0x10EB8] =	vst v63  }
0x71: {  	_ =	swait.ge [sflag:s25], $0x150  }
0x72: {  	[sflag:s25] =	ssyncset.done $0x0  }
0x73: {  	[sflag:s25] =	ssyncadd.s32 $0xFFFFFEB0  }
0x74: {  	_ =	swait.ge [sflag:s25], $0x150  }
0x75: {  	[sflag:s25] =	ssyncset.done $0x0  }
0x76: {  	[sflag:s25] =	ssyncadd.s32 $0xFFFFFEB0  }
0x77: {  	_ =	swait.ge [sflag:s25], $0x150  }
0x78: {  	[sflag:s25] =	ssyncset.done $0x0  }
0x79: {  	[sflag:s25] =	ssyncadd.s32 $0xFFFFFEB0  }
0x7a: {  	_ =	swait.ge [sflag:s25], $0x150  }
0x7b: {  	[sflag:s25] =	ssyncset.done $0x0  }
0x7c: {  	[sflag:s25] =	ssyncadd.s32 $0xFFFFFEB0  }
0x7d: {  	_ =	swait.ge [sflag:s25], $0x150  }
0x7e: {  	[sflag:s25] =	ssyncset.done $0x0  }
0x7f: {  	[sflag:s25] =	ssyncadd.s32 $0xFFFFFEB0  }
0x80: {  	_ =	swait.ge [sflag:s25], $0x150  }
0x81: {  	[sflag:s25] =	ssyncset.done $0x0  }
0x82: {  	[sflag:s25] =	ssyncadd.s32 $0xFFFFFEB0  }
0x83: {  	_ =	swait.ge [sflag:s25], $0x150  }
0x84: {  	[sflag:s25] =	ssyncset.done $0x0  }
0x85: {  	[sflag:s25] =	ssyncadd.s32 $0xFFFFFEB0  }
0x86: {  	_ =	swait.ge [sflag:s25], $0x150  }
0x87: {  	[sflag:s25] =	ssyncset.done $0x0  }
0x88: {  	[sflag:s25] =	ssyncadd.s32 $0xFFFFFEB0  }
0x89: {  	_ =	swait.ge [sflag:s25], $0x150  }
0x8a: {  	[sflag:s25] =	ssyncset.done $0x0  }
0x8b: {  	[sflag:s25] =	ssyncadd.s32 $0xFFFFFEB0  }
0x8c: {  	_ =	swait.ge [sflag:s25], $0x150  }
0x8d: {  	[sflag:s25] =	ssyncset.done $0x0  }
0x8e: {  	[sflag:s25] =	ssyncadd.s32 $0xFFFFFEB0  }
0x8f: {  	_ =	swait.ge [sflag:s25], $0x150  }
0x90: {  	[sflag:s25] =	ssyncset.done $0x0  }
0x91: {  	[sflag:s25] =	ssyncadd.s32 $0xFFFFFEB0  }
0x92: {  	_ =	swait.ge [sflag:s25], $0x150  }
0x93: {  	[sflag:s25] =	ssyncset.done $0x0  }
0x94: {  	[sflag:s25] =	ssyncadd.s32 $0xFFFFFEB0  }
0x95: {  	_ =	swait.ge [sflag:s25], $0x150  }
0x96: {  	[sflag:s25] =	ssyncset.done $0x0  }
0x97: {  	[sflag:s25] =	ssyncadd.s32 $0xFFFFFEB0  }
0x98: {  	_ =	swait.ge [sflag:s25], $0x150  }
0x99: {  	[sflag:s25] =	ssyncset.done $0x0  }
0x9a: {  	[sflag:s25] =	ssyncadd.s32 $0xFFFFFEB0  }
0x9b: {  	_ =	swait.ge [sflag:s25], $0x150  }
0x9c: {  	[sflag:s25] =	ssyncset.done $0x0  }
0x9d: {  	[sflag:s25] =	ssyncadd.s32 $0xFFFFFEB0  }
0x9e: {  	_ =	swait.ge [sflag:s25], $0x150  }
0x9f: {  	[sflag:s25] =	ssyncset.done $0x0  }
0xa0: {  	[sflag:s25] =	ssyncadd.s32 $0xFFFFFEB0  }
0xa1: {  	_ =	swait.ge [sflag:s25], $0x150  }
0xa2: {  	[sflag:s25] =	ssyncset.done $0x0  }
0xa3: {  	[sflag:s25] =	ssyncadd.s32 $0xFFFFFEB0  }
0xa4: {  	_ =	swait.ge [sflag:s25], $0x150  }
0xa5: {  	[sflag:s25] =	ssyncset.done $0x0  }
0xa6: {  	[sflag:s25] =	ssyncadd.s32 $0xFFFFFEB0  }
0xa7: {  	_ =	swait.ge [sflag:s25], $0x150  }
0xa8: {  	[sflag:s25] =	ssyncset.done $0x0  }
0xa9: {  	[sflag:s25] =	ssyncadd.s32 $0xFFFFFEB0  }
0xaa: {  	_ =	swait.ge [sflag:s25], $0x150  }
0xab: {  	[sflag:s25] =	ssyncset.done $0x0  }
0xac: {  	[sflag:s25] =	ssyncadd.s32 $0xFFFFFEB0  }
0xad: {  	_ =	swait.ge [sflag:s25], $0x150  }
0xae: {  	[sflag:s25] =	ssyncset.done $0x0  }
0xaf: {  	[sflag:s25] =	ssyncadd.s32 $0xFFFFFEB0  }
0xb0: {  	_ =	swait.ge [sflag:s25], $0x150  }
0xb1: {  	[sflag:s25] =	ssyncset.done $0x0  }
0xb2: {  	[sflag:s25] =	ssyncadd.s32 $0xFFFFFEB0  }
0xb3: {  	_ =	swait.ge [sflag:s25], $0x150  }
0xb4: {  	[sflag:s25] =	ssyncset.done $0x0  }
0xb5: {  	[sflag:s25] =	ssyncadd.s32 $0xFFFFFEB0  }
0xb6: {  	_ =	swait.ge [sflag:s25], $0x150  }
0xb7: {  	[sflag:s25] =	ssyncset.done $0x0  }
0xb8: {  	[sflag:s25] =	ssyncadd.s32 $0xFFFFFEB0  }
0xb9: {  	_ =	swait.ge [sflag:s25], $0x150  }
0xba: {  	[sflag:s25] =	ssyncset.done $0x0  }
0xbb: {  	[sflag:s25] =	ssyncadd.s32 $0xFFFFFEB0  }
0xbc: {  	_ =	swait.ge [sflag:s25], $0x150  }
0xbd: {  	[sflag:s25] =	ssyncset.done $0x0  }
0xbe: {  	[sflag:s25] =	ssyncadd.s32 $0xFFFFFEB0  }
0xbf: {  	_ =	swait.ge [sflag:s25], $0x150  }
0xc0: {  	[sflag:s25] =	ssyncset.done $0x0  }
0xc1: {  	[sflag:s25] =	ssyncadd.s32 $0xFFFFFEB0  }
0xc2: {  	_ =	swait.ge [sflag:s25], $0x150  }
0xc3: {  	[sflag:s25] =	ssyncset.done $0x0  }
0xc4: {  	[sflag:s25] =	ssyncadd.s32 $0xFFFFFEB0  }
0xc5: {  	_ =	swait.ge [sflag:s25], $0x150  }
0xc6: {  	[sflag:s25] =	ssyncset.done $0x0  }
0xc7: {  	[sflag:s25] =	ssyncadd.s32 $0xFFFFFEB0  }
0xc8: {  	_ =	swait.ge [sflag:s25], $0x150  }
0xc9: {  	[sflag:s25] =	ssyncset.done $0x0  }
0xca: {  	[sflag:s25] =	ssyncadd.s32 $0xFFFFFEB0  }
0xcb: {  	_ =	swait.ge [sflag:s25], $0x150  }
0xcc: {  	[sflag:s25] =	ssyncset.done $0x0  }
0xcd: {  	[sflag:s25] =	ssyncadd.s32 $0xFFFFFEB0  }
0xce: {  	_ =	swait.ge [sflag:s25], $0x150  }
0xcf: {  	[sflag:s25] =	ssyncset.done $0x0  }
0xd0: {  	[sflag:s25] =	ssyncadd.s32 $0xFFFFFEB0  }
0xd1: {  	_ =	swait.ge [sflag:s25], $0xC380  }
0xd2: {  	[sflag:s25] =	ssyncset.done $0x0  }
0xd3: {  	s28 =	simm.s32 $0xD258;
	s29 =	simm.s32 $0x0;
	[sflag:s25] =	ssyncadd.s32 $0xFFFF3C80  }
.LBB2_2:
0xd4: {  	v6 =	vld [tilespmem:s28+$0xFFFFFD60]  }
0xd5: {  	s31 =	sshll.u32 s29, $0x4;
	v7 =	vld [tilespmem:s28+$0x0]  }
0xd6: {  	s4 =	sadd.s32 s1, s31  }
0xd7: {  	v4 =	vmov s4  }
0xd8: {  	v4 =	vmul.u32 $0x5, v4  }
0xd9: {  	v10 =	vmul.u32 $0x5, v6  }
0xda: {  	v4 =	vbroadcast v4, $0x0;
	v11 =	vmul.u32 $0x5, v7;
	_ =	sdelay $0x1  }
0xdb: {  	v12 =	vld [tilespmem:s28+$0xFFFFFEB0];
	v5 =	vadd.s32 v0, v4  }
0xdc: {  	v14 =	vld [tilespmem:s28+$0x150];
	v8 =	vadd.s32 v1, v4  }
0xdd: {  	v9 =	vadd.s32 v2, v4  }
0xde: {  	v4 =	vadd.s32 v3, v4;
	v16 =	vld.idx.msk [tilespmem:v10+s24+$0x0], $0xffff  }
0xdf: {  	v13 =	vadd.s32 $0x1, v11;
	v24 =	vld.idx.msk [tilespmem:v11+s24+$0x0], $0xffff  }
0xe0: {  	v15 =	vadd.s32 $0x2, v11;
	v5 =	vld.idx.msk [tilespmem:v5+s24+$0x0], $0xffff  }
0xe1: {  	v12 =	vmul.u32 $0x5, v12;
	v14 =	vmul.u32 $0x5, v14;
	v17 =	vadd.s32 $0x3, v11;
	v6 =	vld.idx.msk [tilespmem:v8+s24+$0x0], $0xffff  }
0xe2: {  	v7 =	vld.idx.msk [tilespmem:v9+s24+$0x0], $0xffff  }
0xe3: {  	v19 =	vadd.s32 $0x2, v14;
	v8 =	vld.idx.msk [tilespmem:v4+s24+$0x0], $0xffff  }
0xe4: {  	v9 =	vadd.s32 $0x1, v10;
	v13 =	vld.idx.msk [tilespmem:v13+s24+$0x0], $0xffff  }
0xe5: {  	v4 =	vadd.s32 $0x3, v10;
	v18 =	vld.idx.msk [tilespmem:v15+s24+$0x0], $0xffff  }
0xe6: {  	v10 =	vadd.s32 $0x2, v10;
	v17 =	vld.idx.msk [tilespmem:v17+s24+$0x0], $0xffff  }
0xe7: {  	v22 =	vadd.s32 $0x3, v12;
	v26 =	vld.idx.msk [tilespmem:v12+s24+$0x0], $0xffff  }
0xe8: {  	v19 =	vld.idx.msk [tilespmem:v19+s24+$0x0], $0xffff  }
0xe9: {  	v23 =	vadd.s32 $0x1, v12;
	v12 =	vadd.s32 $0x2, v12;
	v9 =	vld.idx.msk [tilespmem:v9+s24+$0x0], $0xffff;
	v15 =	vsub.f32 v16, v5  }
0xea: {  	v21 =	vimm.f32 $0.0e+00;
	v20 =	vld.idx.msk [tilespmem:v4+s24+$0x0], $0xffff;
	v4 =	vsub.f32 v13, v6;
	v28 =	vsub.f32 v18, v7  }
0xeb: {  	v25 =	vadd.s32 $0x3, v14;
	v35 =	vadd.s32 $0x1, v14;
	v29 =	vld.idx.msk [tilespmem:v10+s24+$0x0], $0xffff;
	v10 =	vsub.f32 v17, v8  }
0xec: {  	v22 =	vld.idx.msk [tilespmem:v22+s24+$0x0], $0xffff;
	v27 =	vsub.f32 v24, v5;
	v13 =	vmul.f32 v15, v15;
	v11 =	vmul.f32 v28, v4  }
0xed: {  	v36 =	vld.idx.msk [tilespmem:v14+s24+$0x0], $0xffff;
	v33 =	vsub.f32 v26, v5;
	v16 =	vmul.f32 v4, v4;
	v14 =	vmul.f32 v10, v10  }
0xee: {  	v26 =	vld.idx.msk [tilespmem:v12+s24+$0x0], $0xffff;
	v12 =	vsub.f32 v19, v7;
	v18 =	vmul.f32 v4, v27;
	v63 =	vmul.f32 v27, v27  }
0xef: {  	v19 =	vmul.f32 v33, v33;
	v30 =	vsub.f32 v9, v6;
	v20 =	vsub.f32 v20, v8  }
0xf0: {  	v38 =	vadd.f32 v13, v21;
	v9 =	vmul.f32 v10, v28;
	v34 =	vsub.f32 v29, v7  }
0xf1: {  	v40 =	vld.idx.msk [tilespmem:v23+s24+$0x0], $0xffff;
	v29 =	vsub.f32 v22, v8;
	v32 =	vmul.f32 v30, v15;
	v17 =	vmul.f32 v20, v15  }
0xf2: {  	v22 =	vld.idx.msk [tilespmem:v35+s24+$0x0], $0xffff;
	v35 =	vsub.f32 v36, v5;
	v37 =	vmul.f32 v20, v20;
	v31 =	vmul.f32 v20, v30  }
0xf3: {  	v47 =	vsub.f32 v26, v7;
	v13 =	vmul.f32 v30, v30;
	v23 =	vmul.f32 v20, v34  }
0xf4: {  	v25 =	vld.idx.msk [tilespmem:v25+s24+$0x0], $0xffff;
	v26 =	vimm.f32 $0.0e+00;
	v36 =	vmul.f32 v34, v34;
	v20 =	vmul.f32 v28, v27  }
0xf5: {  	v48 =	vadd.f32 v19, v38;
	v42 =	vmul.f32 v35, v35;
	v46 =	vmul.f32 v29, v33  }
0xf6: {  	v38 =	vsub.f32 v40, v6;
	v43 =	vmul.f32 v34, v30;
	v41 =	vmul.f32 v29, v29  }
0xf7: {  	v30 =	vmul.f32 v28, v28;
	v28 =	vimm.f32 $0.0e+00;
	v48 =	vadd.f32 v63, v48  }
0xf8: {  	v44 =	vmul.f32 v38, v38;
	v24 =	vadd.f32 v32, v21;
	v39 =	vadd.f32 v13, v21  }
0xf9: {  	v13 =	vsub.f32 v25, v8;
	v45 =	vadd.f32 v17, v21;
	v17 =	vmul.f32 v29, v47  }
0xfa: {  	v40 =	vadd.f32 v37, v21;
	v37 =	vmul.f32 v47, v38;
	v25 =	vsub.f32 v22, v6  }
0xfb: {  	s30 =	simm.s32 $0x0;
	s4 =	sadd.s32 $0x540, s28;
	v32 =	vimm.f32 $0.0e+00;
	v22 =	vimm.f32 $0.0e+00;
	v19 =	vmul.f32 v13, v35  }
.LBB2_3:
0xfc: {  	v49 =	vld [tilespmem:s4+$0xFFFFFD60];
	s30 =	sadd.s32 $0x4, s30;
	v50 =	vmul.f32 v47, v33;
	v40 =	vadd.f32 v41, v40;
	v41 =	vmul.f32 v25, v35  }
0xfd: {  	v21 =	vadd.f32 v31, v21;
	v31 =	vmul.f32 v47, v47;
	v47 =	vmul.f32 v12, v12;
	v51 =	vld [tilespmem:s4+$0x0];
	p1 =	slt.u32 s30, $0x1C  }
0xfe: {  	v45 =	vadd.f32 v46, v45;
	v27 =	vmul.f32 v10, v27;
	v42 =	vadd.f32 v42, v48;
	v52 =	vld [tilespmem:s4+$0xFFFFFEB0]  }
0xff: {  	v28 =	vadd.f32 v43, v28;
	v39 =	vadd.f32 v44, v39;
	v43 =	vmul.f32 v25, v25  }
0x100: {  	v33 =	vmul.f32 v38, v33;
	v44 =	vmul.f32 v13, v25;
	v27 =	vadd.f32 v27, v45  }
0x101: {  	v29 =	vmul.f32 v29, v38;
	v35 =	vmul.f32 v12, v35;
	v45 =	vmul.u32 $0x5, v49  }
0x102: {  	v15 =	vmul.f32 v34, v15;
	v26 =	vadd.f32 v36, v26;
	v38 =	vmul.u32 $0x5, v51  }
0x103: {  	v16 =	vadd.f32 v16, v39;
	v34 =	vadd.s32 $0x1, v45;
	v36 =	vadd.s32 $0x2, v45;
	v46 =	vld [tilespmem:s4+$0x150]  }
0x104: {  	v26 =	vadd.f32 v31, v26;
	v39 =	vmul.u32 $0x5, v52;
	v48 =	vadd.s32 $0x1, v38  }
0x105: {  	v15 =	vadd.f32 v15, v32;
	v31 =	vadd.s32 $0x2, v38;
	v49 =	vadd.s32 $0x3, v38  }
0x106: {  	v22 =	vadd.f32 v23, v22;
	v51 =	vadd.s32 $0x1, v39;
	v32 =	vadd.s32 $0x2, v39  }
0x107: {  	v14 =	vadd.f32 v14, v40;
	v26 =	vadd.f32 v30, v26;
	v23 =	vld.idx.msk [tilespmem:v45+s24+$0x0], $0xffff;
	v45 =	vadd.s32 $0x3, v45  }
0x108: {  	v24 =	vadd.f32 v33, v24;
	v28 =	vadd.f32 v37, v28;
	v30 =	vld.idx.msk [tilespmem:v38+s24+$0x0], $0xffff;
	v38 =	vmul.u32 $0x5, v46  }
0x109: {  	v25 =	vmul.f32 v12, v25;
	v37 =	vadd.f32 v50, v15;
	v15 =	vmul.f32 v13, v13;
	v33 =	vld.idx.msk [tilespmem:v48+s24+$0x0], $0xffff  }
0x10a: {  	v18 =	vadd.f32 v18, v24;
	v43 =	vadd.f32 v43, v16;
	v40 =	vadd.s32 $0x3, v39;
	v31 =	vld.idx.msk [tilespmem:v31+s24+$0x0], $0xffff  }
0x10b: {  	v11 =	vadd.f32 v11, v28;
	v24 =	vadd.s32 $0x2, v38;
	v16 =	vld.idx.msk [tilespmem:v34+s24+$0x0], $0xffff;
	v34 =	vadd.s32 $0x3, v38  }
0x10c: {  	v41 =	vadd.f32 v41, v18;
	v48 =	vadd.s32 $0x1, v38;
	v46 =	vld.idx.msk [tilespmem:v49+s24+$0x0], $0xffff;
	v49 =	vadd.f32 v15, v14  }
0x10d: {  	v12 =	vmul.f32 v13, v12;
	v18 =	vadd.f32 v20, v37;
	v15 =	vsub.f32 v23, v5;
	v14 =	vld.idx.msk [tilespmem:v45+s24+$0x0], $0xffff  }
0x10e: {  	v10 =	vmul.f32 v10, v4;
	v20 =	vadd.f32 v29, v21;
	v37 =	vadd.f32 v19, v27;
	v13 =	vld.idx.msk [tilespmem:v39+s24+$0x0], $0xffff  }
0x10f: {  	v28 =	vadd.f32 v25, v11;
	v19 =	vmul.f32 v15, v15;
	v4 =	vsub.f32 v33, v6;
	v23 =	vld.idx.msk [tilespmem:v38+s24+$0x0], $0xffff  }
0x110: {  	v17 =	vadd.f32 v17, v22;
	v50 =	vsub.f32 v31, v7;
	v24 =	vld.idx.msk [tilespmem:v24+s24+$0x0], $0xffff  }
0x111: {  	v26 =	vadd.f32 v47, v26;
	v10 =	vadd.f32 v10, v20;
	v25 =	vld.idx.msk [tilespmem:v36+s24+$0x0], $0xffff  }
0x112: {  	v9 =	vadd.f32 v9, v17;
	v52 =	vsub.f32 v16, v6;
	v11 =	vmul.f32 v50, v4;
	v20 =	vld.idx.msk [tilespmem:v34+s24+$0x0], $0xffff  }
0x113: {  	v21 =	vadd.f32 v44, v10;
	v16 =	vmul.f32 v4, v4;
	v17 =	vsub.f32 v14, v8;
	v47 =	vld.idx.msk [tilespmem:v32+s24+$0x0], $0xffff  }
0x114: {  	v10 =	vsub.f32 v46, v8;
	v29 =	vmul.f32 v52, v15;
	v32 =	vadd.f32 v35, v18;
	v36 =	vld.idx.msk [tilespmem:v40+s24+$0x0], $0xffff  }
0x115: {  	v22 =	vadd.f32 v12, v9;
	v40 =	vmul.f32 v17, v15;
	v53 =	vmul.f32 v17, v17  }
0x116: {  	v27 =	vsub.f32 v30, v5;
	v9 =	vmul.f32 v10, v50;
	v31 =	vmul.f32 v17, v52  }
0x117: {  	v19 =	vadd.f32 v19, v42;
	v30 =	vmul.f32 v52, v52;
	v14 =	vmul.f32 v10, v10;
	v38 =	vld.idx.msk [tilespmem:v51+s24+$0x0], $0xffff  }
0x118: {  	v33 =	vsub.f32 v13, v5;
	v18 =	vmul.f32 v4, v27;
	v12 =	vsub.f32 v24, v7  }
0x119: {  	v24 =	vadd.f32 v29, v41;
	v34 =	vsub.f32 v25, v7;
	v51 =	vmul.f32 v27, v27;
	v25 =	vld.idx.msk [tilespmem:v48+s24+$0x0], $0xffff  }
0x11a: {  	v35 =	vsub.f32 v23, v5;
	v41 =	vmul.f32 v33, v33;
	v29 =	vsub.f32 v36, v8  }
0x11b: {  	v39 =	vadd.f32 v30, v43;
	v13 =	vsub.f32 v20, v8;
	v23 =	vmul.f32 v17, v34  }
0x11c: {  	v30 =	vadd.f32 v41, v19;
	v20 =	vmul.f32 v50, v27;
	v36 =	vmul.f32 v34, v34  }
.Ltmp0:
0x11d: {  	v42 =	vmul.f32 v35, v35;
	v19 =	vmul.f32 v13, v35;
	v38 =	vsub.f32 v38, v6;
	(pc) =	sbr.rel @p1 .LBB2_3-.Ltmp0, $4  }
0x11e: {  	v45 =	vadd.f32 v40, v37;
	v47 =	vsub.f32 v47, v7;
	v46 =	vmul.f32 v29, v33  }
0x11f: {  	v43 =	vmul.f32 v34, v52;
	v44 =	vmul.f32 v38, v38;
	v25 =	vsub.f32 v25, v6  }
0x120: {  	v40 =	vadd.f32 v53, v49;
	v17 =	vmul.f32 v29, v47;
	v41 =	vmul.f32 v29, v29  }
0x121: {  	s4 =	sadd.s32 $0x540, s4;
	v48 =	vadd.f32 v51, v30;
	v30 =	vmul.f32 v50, v50;
	v37 =	vmul.f32 v47, v38  }
0x122: {  	v5 =	vmul.f32 v38, v33;
	v6 =	vmul.f32 v34, v15  }
0x123: {  	v7 =	vmul.f32 v47, v33;
	v8 =	vadd.f32 v31, v21  }
0x124: {  	v61 =	vmul.f32 v25, v35;
	v6 =	vadd.f32 v6, v32;
	v5 =	vadd.f32 v5, v24  }
0x125: {  	v62 =	vmul.f32 v47, v47;
	v63 =	vadd.f32 v46, v45;
	v43 =	vadd.f32 v43, v28  }
0x126: {  	v27 =	vmul.f32 v10, v27;
	v6 =	vadd.f32 v7, v6;
	v5 =	vadd.f32 v18, v5  }
0x127: {  	v45 =	vadd.f32 v44, v39;
	v46 =	vmul.f32 v25, v25;
	v42 =	vadd.f32 v42, v48  }
0x128: {  	v47 =	vmul.f32 v12, v35;
	v5 =	vadd.f32 v61, v5;
	v6 =	vadd.f32 v20, v6  }
0x129: {  	v49 =	vadd.f32 v36, v26;
	v51 =	vmul.f32 v29, v38;
	v50 =	vmul.f32 $3.225806360e-02, v42  }
0x12a: {  	v48 =	vadd.f32 v27, v63;
	v6 =	vadd.f32 v47, v6;
	v5 =	vmul.f32 $3.225806360e-02, v5  }
0x12b: {  	v4 =	vmul.f32 v10, v4;
	v16 =	vadd.f32 v16, v45;
	v7 =	vadd.f32 v37, v43;
	[tilespmem:s31+$0xF9B8] =	vst v50  }
0x12c: {  	v8 =	vadd.f32 v51, v8;
	v15 =	vadd.f32 v19, v48;
	[tilespmem:s31+$0xFB08] =	vst v5;
	v6 =	vmul.f32 $3.225806360e-02, v6  }
0x12d: {  	v52 =	vmul.f32 v12, v25;
	v53 =	vadd.f32 v46, v16;
	v7 =	vadd.f32 v11, v7;
	[tilespmem:s31+$0xFEF8] =	vst v5  }
0x12e: {  	s4 =	sand.u32 $0x1F0, s31;
	v4 =	vadd.f32 v4, v8;
	v54 =	vmul.f32 $3.225806360e-02, v15;
	v5 =	vadd.f32 v23, v22;
	[tilespmem:s31+$0xFC58] =	vst v6  }
0x12f: {  	v55 =	vmul.f32 v13, v25;
	v20 =	vadd.f32 v62, v49;
	v7 =	vadd.f32 v52, v7;
	[tilespmem:s4+$0x10438] =	vst v6  }
0x130: {  	v56 =	vmul.f32 v12, v12;
	v57 =	vmul.f32 $3.225806360e-02, v53;
	v5 =	vadd.f32 v17, v5;
	[tilespmem:s31+$0xFDA8] =	vst v54  }
0x131: {  	v4 =	vadd.f32 v55, v4;
	v58 =	vadd.f32 v30, v20;
	v7 =	vmul.f32 $3.225806360e-02, v7;
	[tilespmem:s31+$0x10978] =	vst v54  }
0x132: {  	v59 =	vadd.f32 v41, v40;
	v60 =	vmul.f32 v13, v12;
	v5 =	vadd.f32 v9, v5;
	[tilespmem:s31+$0x10048] =	vst v57  }
0x133: {  	v4 =	vmul.f32 $3.225806360e-02, v4;
	v6 =	vadd.f32 v56, v58;
	[tilespmem:s31+$0x10198] =	vst v7  }
0x134: {  	s29 =	sadd.s32 $0x1, s29;
	v61 =	vadd.f32 v14, v59;
	v62 =	vmul.f32 v13, v13;
	[tilespmem:s31+$0x10588] =	vst v7;
	v5 =	vadd.f32 v60, v5  }
0x135: {  	p1 =	sne.s32 s29, $0x15;
	[tilespmem:s31+$0x102E8] =	vst v4;
	v6 =	vmul.f32 $3.225806360e-02, v6  }
.Ltmp1:
0x136: {  	v63 =	vadd.f32 v62, v61;
	[tilespmem:s31+$0x10AC8] =	vst v4;
	v4 =	vmul.f32 $3.225806360e-02, v5;
	(pc) =	sbr.rel @p1 .LBB2_2-.Ltmp1, $4  }
0x137: {  	[tilespmem:s31+$0x106D8] =	vst v6  }
0x138: {  	v5 =	vmul.f32 $3.225806360e-02, v63;
	[tilespmem:s31+$0x10828] =	vst v4  }
0x139: {  	[tilespmem:s31+$0x10C18] =	vst v4  }
0x13a: {  	s28 =	sadd.s32 $0x10, s28;
	[tilespmem:s31+$0x10D68] =	vst v5  }
0x13b: {  	s4 =	rddreg [dreg:$0x13]  }
0x13c: {  	s28 =	simm.s32 $0xF9B8;
	s31 =	rddreg [dreg:$0x14]  }
0x13d: {  	[hbm4b:s4+s0] =	stream.linear.scatter [tilespmem:s28], [sflag:$0x1], $0x150, $0x38;
	[tilespmem:$0x10EB8] =	vst v63  }
0x13e: {  	s29 =	simm.s32 $0xFB08;
	s30 =	rddreg [dreg:$0x15]  }
0x13f: {  	[hbm4b:s31+s0] =	stream.linear.scatter [tilespmem:s29], [sflag:$0x1], $0x150, $0x38;
	[tilespmem:$0x10EB8] =	vst v63  }
0x140: {  	s31 =	simm.s32 $0xFC58;
	s29 =	rddreg [dreg:$0x16]  }
0x141: {  	[hbm4b:s30+s0] =	stream.linear.scatter [tilespmem:s31], [sflag:$0x1], $0x150, $0x38;
	[tilespmem:$0x10EB8] =	vst v63  }
0x142: {  	s30 =	simm.s32 $0xFDA8;
	s31 =	rddreg [dreg:$0x17]  }
0x143: {  	[hbm4b:s29+s0] =	stream.linear.scatter [tilespmem:s30], [sflag:$0x1], $0x150, $0x38;
	[tilespmem:$0x10EB8] =	vst v63  }
0x144: {  	s29 =	simm.s32 $0xFEF8;
	s30 =	rddreg [dreg:$0x18]  }
0x145: {  	[hbm4b:s31+s0] =	stream.linear.scatter [tilespmem:s29], [sflag:$0x1], $0x150, $0x38;
	[tilespmem:$0x10EB8] =	vst v63  }
0x146: {  	s31 =	simm.s32 $0x10048;
	s29 =	rddreg [dreg:$0x19]  }
0x147: {  	[hbm4b:s30+s0] =	stream.linear.scatter [tilespmem:s31], [sflag:$0x1], $0x150, $0x38;
	[tilespmem:$0x10EB8] =	vst v63  }
0x148: {  	s30 =	simm.s32 $0x10198;
	s31 =	rddreg [dreg:$0x1a]  }
0x149: {  	[hbm4b:s29+s0] =	stream.linear.scatter [tilespmem:s30], [sflag:$0x1], $0x150, $0x38;
	[tilespmem:$0x10EB8] =	vst v63  }
0x14a: {  	s29 =	simm.s32 $0x102E8;
	s30 =	rddreg [dreg:$0x1b]  }
0x14b: {  	[hbm4b:s31+s0] =	stream.linear.scatter [tilespmem:s29], [sflag:$0x1], $0x150, $0x38;
	[tilespmem:$0x10EB8] =	vst v63  }
0x14c: {  	s31 =	simm.s32 $0x10438;
	s29 =	rddreg [dreg:$0x1c]  }
0x14d: {  	[hbm4b:s30+s0] =	stream.linear.scatter [tilespmem:s31], [sflag:$0x1], $0x150, $0x38;
	[tilespmem:$0x10EB8] =	vst v63  }
0x14e: {  	s30 =	simm.s32 $0x10588;
	s31 =	rddreg [dreg:$0x1d]  }
0x14f: {  	[hbm4b:s29+s0] =	stream.linear.scatter [tilespmem:s30], [sflag:$0x1], $0x150, $0x38;
	[tilespmem:$0x10EB8] =	vst v63  }
0x150: {  	s29 =	simm.s32 $0x106D8;
	s30 =	rddreg [dreg:$0x1e]  }
0x151: {  	[hbm4b:s31+s0] =	stream.linear.scatter [tilespmem:s29], [sflag:$0x1], $0x150, $0x38;
	[tilespmem:$0x10EB8] =	vst v63  }
0x152: {  	s31 =	simm.s32 $0x10828;
	s29 =	rddreg [dreg:$0x1f]  }
0x153: {  	[hbm4b:s30+s0] =	stream.linear.scatter [tilespmem:s31], [sflag:$0x1], $0x150, $0x38;
	[tilespmem:$0x10EB8] =	vst v63  }
0x154: {  	s30 =	simm.s32 $0x10978;
	s31 =	sld [smem:$0x7FD]  }
0x155: {  	[hbm4b:s29+s0] =	stream.linear.scatter [tilespmem:s30], [sflag:$0x1], $0x150, $0x38;
	[tilespmem:$0x10EB8] =	vst v63  }
0x156: {  	s29 =	simm.s32 $0x10AC8  }
0x157: {  	[hbm4b:s31+s0] =	stream.linear.scatter [tilespmem:s29], [sflag:$0x1], $0x150, $0x38;
	[tilespmem:$0x10EB8] =	vst v63  }
0x158: {  	s30 =	simm.s32 $0x10C18  }
0x159: {  	[hbm4b:s5+s0] =	stream.linear.scatter [tilespmem:s30], [sflag:$0x1], $0x150, $0x38;
	[tilespmem:$0x10EB8] =	vst v63  }
0x15a: {  	s31 =	simm.s32 $0x10D68  }
0x15b: {  	[hbm4b:s6+s0] =	stream.linear.scatter [tilespmem:s31], [sflag:$0x1], $0x150, $0x38;
	[tilespmem:$0x10EB8] =	vst v63  }
0x15c: {  	_ =	swait.ge [sflag:s25], $0x150  }
0x15d: {  	[sflag:s25] =	ssyncset.done $0x0  }
0x15e: {  	[sflag:s25] =	ssyncadd.s32 $0xFFFFFEB0  }
0x15f: {  	_ =	swait.ge [sflag:s25], $0x150  }
0x160: {  	[sflag:s25] =	ssyncset.done $0x0  }
0x161: {  	[sflag:s25] =	ssyncadd.s32 $0xFFFFFEB0  }
0x162: {  	_ =	swait.ge [sflag:s25], $0x150  }
0x163: {  	[sflag:s25] =	ssyncset.done $0x0  }
0x164: {  	[sflag:s25] =	ssyncadd.s32 $0xFFFFFEB0  }
0x165: {  	_ =	swait.ge [sflag:s25], $0x150  }
0x166: {  	[sflag:s25] =	ssyncset.done $0x0  }
0x167: {  	[sflag:s25] =	ssyncadd.s32 $0xFFFFFEB0  }
0x168: {  	_ =	swait.ge [sflag:s25], $0x150  }
0x169: {  	[sflag:s25] =	ssyncset.done $0x0  }
0x16a: {  	[sflag:s25] =	ssyncadd.s32 $0xFFFFFEB0  }
0x16b: {  	_ =	swait.ge [sflag:s25], $0x150  }
0x16c: {  	[sflag:s25] =	ssyncset.done $0x0  }
0x16d: {  	[sflag:s25] =	ssyncadd.s32 $0xFFFFFEB0  }
0x16e: {  	_ =	swait.ge [sflag:s25], $0x150  }
0x16f: {  	[sflag:s25] =	ssyncset.done $0x0  }
0x170: {  	[sflag:s25] =	ssyncadd.s32 $0xFFFFFEB0  }
0x171: {  	_ =	swait.ge [sflag:s25], $0x150  }
0x172: {  	[sflag:s25] =	ssyncset.done $0x0  }
0x173: {  	[sflag:s25] =	ssyncadd.s32 $0xFFFFFEB0  }
0x174: {  	_ =	swait.ge [sflag:s25], $0x150  }
0x175: {  	[sflag:s25] =	ssyncset.done $0x0  }
0x176: {  	[sflag:s25] =	ssyncadd.s32 $0xFFFFFEB0  }
0x177: {  	_ =	swait.ge [sflag:s25], $0x150  }
0x178: {  	[sflag:s25] =	ssyncset.done $0x0  }
0x179: {  	[sflag:s25] =	ssyncadd.s32 $0xFFFFFEB0  }
0x17a: {  	_ =	swait.ge [sflag:s25], $0x150  }
0x17b: {  	[sflag:s25] =	ssyncset.done $0x0  }
0x17c: {  	[sflag:s25] =	ssyncadd.s32 $0xFFFFFEB0  }
0x17d: {  	_ =	swait.ge [sflag:s25], $0x150  }
0x17e: {  	[sflag:s25] =	ssyncset.done $0x0  }
0x17f: {  	[sflag:s25] =	ssyncadd.s32 $0xFFFFFEB0  }
0x180: {  	_ =	swait.ge [sflag:s25], $0x150  }
0x181: {  	[sflag:s25] =	ssyncset.done $0x0  }
0x182: {  	[sflag:s25] =	ssyncadd.s32 $0xFFFFFEB0  }
0x183: {  	_ =	swait.ge [sflag:s25], $0x150  }
0x184: {  	[sflag:s25] =	ssyncset.done $0x0  }
0x185: {  	s26 =	sadd.s32 $0x1, s26;
	[sflag:s25] =	ssyncadd.s32 $0xFFFFFEB0  }
0x186: {  	p1 =	sne.s32 s26, s8;
	_ =	swait.ge [sflag:s25], $0x150  }
.Ltmp2:
0x187: {  	[sflag:s25] =	ssyncset.done $0x0;
	(pc) =	sbr.rel @p1 .LBB2_1-.Ltmp2, $4  }
0x188: {  	[sflag:s25] =	ssyncadd.s32 $0xFFFFFEB0  }
0x189: {  	_ =	swait.ge [sflag:s25], $0x150  }
0x18a: {  	[sflag:s25] =	ssyncset.done $0x0  }
0x18b: {  	[sflag:s25] =	ssyncadd.s32 $0xFFFFFEB0  }
0x18c: {  	_ =	sfence.sel $0x180000  }
0x18d: {  	[bflag:$0x0] =	sbarrier.arrive $0xFFFF  }
0x18e: {  	_ =	strace $0x90000047  }
0x18f: {  	[bflag:$0x2] =	sbarrier.arrive $0xFFFF  }
0x190: {  	s0 =	rddreg [dreg:$0x3]  }
0x191: {  	s0 =	sadd.s32 @!p0 $0x100000, s0  }
0x192: {  	[sflag:s0] =	ssyncadd.tile.s32 @!p0 $0x1;
	_ =	shalt  }
.Lfunc_end2:
_tile_overlayer_lowered:
.L_overlay_start_2:
0x193: {  	(tag) =	ssettag $0x2  }
0x194: {  	s0 =	rddreg [dreg:$0x0];
	s2 =	stileid.u32  }
0x195: {  	s1 =	rddreg [dreg:$0x1];
	p0 =	sne.s32 s2, $0x0  }
0x196: {  	s3 =	rddreg [dreg:$0x2];
	[bflag:$0x3] =	sbarrier.arrive $0xFFFF;
	s2 =	simm.s32 @!p0 $0x1C02  }
0x197: {  	[timem:s3], [sflag:s2] =	dma.local @!p0 [hbm:s0], s1  }
0x198: {  	s0 =	simm.s32 @!p0 $0x2  }
0x199: {  	_ =	swait.ge @!p0 [sflag:s0], s1  }
0x19a: {  	s1 =	ssub.s32 @!p0 $0x0, s1;
	[sflag:s0] =	ssyncset.done @!p0 $0x0  }
0x19b: {  	[sflag:s0] =	ssyncadd.s32 @!p0 s1  }
0x19c: {  	[bflag:$0x3] =	sbarrier.arrive $0xFFFF  }
0x19d: {  	_ =	shalt  }

</sc_bundles>
